<compile_context>
chip_gen: v7x
topology: tpu7x:2x2x1
jax: 0.10.2.dev20260603
libtpu: 0.0.44.dev20260713+nightly
codegen_flags: <defaults>
</compile_context>

<pallas_src>
import functools

import jax
import jax.numpy as jnp
from jax import lax
from jax.experimental import pallas as pl
from jax.experimental.pallas import tpu as pltpu
from jax.experimental.pallas import tpu_sc as plsc

NC = 2
NS = 16
NW = NC * NS

N_NODES = 10000
D = 128

K = 128
C = 80
EW = C * K
E_PAD = NW * EW
N_PAD = 10240
RT = N_PAD // NS
DEG_W = 16
E_REAL = 320000
C_LAST = (E_REAL - (NW - 1) * EW) // K

_mesh = plsc.VectorSubcoreMesh(core_axis_name="c", subcore_axis_name="s")


@functools.partial(
    pl.kernel,
    out_type=jax.ShapeDtypeStruct((NC, N_PAD, DEG_W), jnp.float32),
    mesh=_mesh,
    scratch_types=[
        pltpu.VMEM_SHARED((N_PAD, DEG_W), jnp.float32),
        pltpu.VMEM((C, K), jnp.int32),
        pltpu.VMEM((K, DEG_W), jnp.float32),
        pltpu.VMEM((K, DEG_W), jnp.float32),
    ],
)
def _deg_pass(dst_hbm, degp_hbm, deg_sh, dst_v, ones_v, zero_v):
    cid = lax.axis_index("c")
    sid = lax.axis_index("s")
    wid = cid * NS + sid

    def fill(i, _):
        ones_v[i] = jnp.ones((DEG_W,), jnp.float32)
        zero_v[i] = jnp.zeros((DEG_W,), jnp.float32)
        return 0

    lax.fori_loop(0, K, fill, 0)

    for k in range(RT // K):
        pltpu.sync_copy(zero_v, deg_sh.at[pl.ds(sid * RT + k * K, K)])
    plsc.subcore_barrier()

    pltpu.sync_copy(dst_hbm.at[wid], dst_v)

    def step(j, _):
        pltpu.sync_copy(ones_v, deg_sh.at[dst_v.at[j]], add=True)
        return 0

    cw = jnp.where(wid == NW - 1, C_LAST, C)
    lax.fori_loop(0, cw, step, 0)
    plsc.subcore_barrier()

    pltpu.sync_copy(
        deg_sh.at[pl.ds(sid * RT, RT)],
        degp_hbm.at[cid, pl.ds(sid * RT, RT)],
    )


_BM = 512


def _mm_body(x_ref, wt_ref, degp_ref, h2_ref):
    deg = degp_ref[0, :, 0:1] + degp_ref[1, :, 0:1] + 1.0
    dinv = lax.rsqrt(deg)
    h = jnp.dot(x_ref[...], wt_ref[...], preferred_element_type=jnp.float32)
    h2_ref[...] = h * dinv


_mm = pl.pallas_call(
    _mm_body,
    grid=(N_PAD // _BM,),
    in_specs=[
        pl.BlockSpec((_BM, D), lambda i: (i, 0)),
        pl.BlockSpec((D, D), lambda i: (0, 0)),
        pl.BlockSpec((NC, _BM, DEG_W), lambda i: (0, i, 0)),
    ],
    out_specs=pl.BlockSpec((_BM, D), lambda i: (i, 0)),
    out_shape=jax.ShapeDtypeStruct((N_PAD, D), jnp.float32),
)


KF = 128
CF = EW // KF
ZR = 16


@functools.partial(
    pl.kernel,
    out_type=jax.ShapeDtypeStruct((NC, N_PAD, D), jnp.float32),
    mesh=_mesh,
    scratch_types=[
        pltpu.VMEM_SHARED((N_PAD, D), jnp.float32),
        pltpu.VMEM((CF, KF), jnp.int32),
        pltpu.VMEM((2, KF), jnp.int32),
        pltpu.VMEM((KF, D), jnp.float32),
        pltpu.VMEM((KF, D), jnp.float32),
        pltpu.SemaphoreType.DMA,
        pltpu.SemaphoreType.DMA,
        pltpu.SemaphoreType.DMA,
        pltpu.SemaphoreType.DMA,
        pltpu.SemaphoreType.DMA,
        pltpu.SemaphoreType.DMA,
    ],
)
def _feat_pass(h2_hbm, src_hbm, dst_hbm, accp_hbm, acc_sh, dst_v, sring, buf0,
               buf1, gsem0, gsem1, ssem0, ssem1, isem0, isem1):
    cid = lax.axis_index("c")
    sid = lax.axis_index("s")
    wid = cid * NS + sid
    T = jnp.where(wid == NW - 1, C_LAST, CF) // 2

    def fill(i, _):
        for c in range(D // 16):
            buf0[i, pl.ds(c * 16, 16)] = jnp.zeros((16,), jnp.float32)
        return 0

    lax.fori_loop(0, KF, fill, 0)
    for k in range(RT // KF):
        pltpu.sync_copy(buf0, acc_sh.at[pl.ds(sid * RT + k * KF, KF)])
    plsc.subcore_barrier()

    pltpu.sync_copy(dst_hbm.at[wid], dst_v)
    pltpu.sync_copy(src_hbm.at[wid, 0], sring.at[0])
    pltpu.sync_copy(src_hbm.at[wid, 1], sring.at[1])
    pltpu.async_copy(h2_hbm.at[sring.at[0, pl.ds(0, 64)]], buf0.at[pl.ds(0, 64)], gsem0)
    pltpu.async_copy(h2_hbm.at[sring.at[0, pl.ds(64, 64)]], buf0.at[pl.ds(64, 64)], ssem0)

    def step(t, _):
        j0 = 2 * t
        j1 = j0 + 1
        jn0 = jnp.minimum(j0 + 2, CF - 1)
        jn1 = jnp.minimum(j1 + 2, CF - 1)
        pltpu.make_async_copy(h2_hbm.at[sring.at[0, pl.ds(0, 64)]], buf0.at[pl.ds(0, 64)], gsem0).wait()
        pltpu.make_async_copy(h2_hbm.at[sring.at[0, pl.ds(64, 64)]], buf0.at[pl.ds(64, 64)], ssem0).wait()

        @pl.when(t < T - 1)
        def _():
            pltpu.async_copy(src_hbm.at[wid, jn0], sring.at[0], isem0)

        @pl.when(t > 0)
        def _():
            pass
            pltpu.make_async_copy(src_hbm.at[wid, j1], sring.at[1], isem1).wait()

        pltpu.async_copy(h2_hbm.at[sring.at[1, pl.ds(0, 64)]], buf1.at[pl.ds(0, 64)], gsem1)
        pltpu.async_copy(h2_hbm.at[sring.at[1, pl.ds(64, 64)]], buf1.at[pl.ds(64, 64)], ssem1)
        pltpu.make_async_copy(h2_hbm.at[sring.at[1, pl.ds(0, 64)]], buf1.at[pl.ds(0, 64)], gsem1).wait()
        pltpu.make_async_copy(h2_hbm.at[sring.at[1, pl.ds(64, 64)]], buf1.at[pl.ds(64, 64)], ssem1).wait()

        @pl.when(t < T - 1)
        def _():
            pltpu.async_copy(src_hbm.at[wid, jn1], sring.at[1], isem1)


        @pl.when(t < T - 1)
        def _():
            pltpu.make_async_copy(src_hbm.at[wid, jn0], sring.at[0], isem0).wait()
            pltpu.async_copy(h2_hbm.at[sring.at[0, pl.ds(0, 64)]], buf0.at[pl.ds(0, 64)], gsem0)
            pltpu.async_copy(h2_hbm.at[sring.at[0, pl.ds(64, 64)]], buf0.at[pl.ds(64, 64)], ssem0)

        return 0

    lax.fori_loop(0, T, step, 0)
    plsc.subcore_barrier()

    pltpu.sync_copy(
        acc_sh.at[pl.ds(sid * RT, RT)],
        accp_hbm.at[cid, pl.ds(sid * RT, RT)],
    )


_BC = 1024


def _comb_body(accp_ref, h2_ref, degp_ref, b_ref, out_ref):
    deg = degp_ref[0, :, 0:1] + degp_ref[1, :, 0:1] + 1.0
    dinv = lax.rsqrt(deg)
    out_ref[...] = dinv * (accp_ref[0] + accp_ref[1] + h2_ref[...]) + b_ref[...]


_comb = pl.pallas_call(
    _comb_body,
    grid=(N_PAD // _BC,),
    in_specs=[
        pl.BlockSpec((NC, _BC, D), lambda i: (0, i, 0)),
        pl.BlockSpec((_BC, D), lambda i: (i, 0)),
        pl.BlockSpec((NC, _BC, DEG_W), lambda i: (0, i, 0)),
        pl.BlockSpec((1, D), lambda i: (0, 0)),
    ],
    out_specs=pl.BlockSpec((_BC, D), lambda i: (i, 0)),
    out_shape=jax.ShapeDtypeStruct((N_NODES, D), jnp.float32),
)


def kernel(x, edge_index, W, b):
    n = x.shape[0]
    ei = edge_index.astype(jnp.int32)
    pad = E_PAD - ei.shape[1]
    src_p = jnp.concatenate([ei[0], jnp.zeros((pad,), jnp.int32)])
    dst_p = jnp.concatenate([ei[1], jnp.full((pad,), n, jnp.int32)])
    src3 = src_p.reshape(NW, CF, KF)
    dst3 = dst_p.reshape(NW, CF, KF)
    dst3_deg = dst_p.reshape(NW, C, K)
    xp = jnp.pad(x, ((0, N_PAD - n), (0, 0)))

    degp = _deg_pass(dst3_deg)
    h2 = _mm(xp, W.T, degp)
    accp = _feat_pass(h2, src3, dst3)
    return _comb(accp, h2, degp, b.reshape(1, D))

# --- scband reference (transcript-rebuilt; emitter-appended) ---
"""Pipeline reference for scband-conv-pool-81819126988920 (READ-ONLY COPY).

The authoritative reference and input builder live on the scoring server;
editing this copy changes nothing except your own understanding.
"""

import jax, jax.numpy as jnp
import numpy as np

N_NODES = 10000
N_EDGES = 320000
IN_DIM = 128
OUT_DIM = 128

def setup_inputs(seed: int = 0) -> dict:
    key = jax.random.key(seed)
    k1, k2, k3, k4 = jax.random.split(key, 4)
    x = jax.random.normal(k1, (N_NODES, IN_DIM), dtype=jnp.float32)
    edge_index = jax.random.randint(k2, (2, N_EDGES), 0, N_NODES, dtype=jnp.int64)
    # GCNConv linear weight [out_dim, in_dim] (glorot) and bias [out_dim]
    limit = float(np.sqrt(6.0 / (IN_DIM + OUT_DIM)))
    W = jax.random.uniform(k3, (OUT_DIM, IN_DIM), dtype=jnp.float32, minval=-limit, maxval=limit)
    b = jnp.zeros((OUT_DIM,), dtype=jnp.float32)
    return {"x": x, "edge_index": edge_index, "W": W, "b": b}

def reference(x, edge_index, W, b):
    # Faithful GCNConv: add self-loops, symmetric normalization, linear, scatter-add, bias
    N = x.shape[0]
    src = edge_index[0]
    dst = edge_index[1]
    loop = jnp.arange(N, dtype=edge_index.dtype)
    src = jnp.concatenate([src, loop], axis=0)
    dst = jnp.concatenate([dst, loop], axis=0)
    edge_weight = jnp.ones(src.shape[0], dtype=x.dtype)
    # degree computed at target nodes (PyG gcn_norm)
    deg = jnp.zeros((N,), dtype=x.dtype).at[dst].add(edge_weight)
    deg_inv_sqrt = jnp.where(deg > 0, jax.lax.rsqrt(deg), 0.0)
    norm = deg_inv_sqrt[src] * edge_weight * deg_inv_sqrt[dst]
    # linear transform first (PyG GCNConv transforms then propagates)
    h = x @ W.T
    # gather messages from source, scale by norm, scatter-add at target
    msg = h[src] * norm[:, None]
    out = jnp.zeros((N, h.shape[1]), dtype=h.dtype).at[dst].add(msg)
    return out + b

if __name__ == "__main__":
    import jax
    _d = setup_inputs()
    print(jax.jit(kernel)(*tuple(_d.values())))

</pallas_src>

<mosaic_0001>
#map = affine_map<(d0, d1) -> (0, 0)>
#map1 = affine_map<(d0, d1) -> (0, 0, 0)>
module attributes {stable_mosaic.version = 14 : i64} {
  func.func @_feat_pass(%arg0: i32, %arg1: i32, %arg2: memref<10240x128xf32, #tpu.memory_space<hbm>>, %arg3: memref<32x80x128xi32, #tpu.memory_space<hbm>>, %arg4: memref<32x80x128xi32, #tpu.memory_space<hbm>>, %arg5: memref<2x10240x128xf32, #tpu.memory_space<hbm>>, %arg6: memref<10240x128xf32, #tpu.memory_space<vmem_shared>>, %arg7: memref<80x128xi32, #tpu.memory_space<vmem>>, %arg8: memref<2x128xi32, #tpu.memory_space<vmem>>, %arg9: memref<128x128xf32, #tpu.memory_space<vmem>>, %arg10: memref<128x128xf32, #tpu.memory_space<vmem>>, %arg11: memref<!tpu.dma_semaphore, #tpu.memory_space<semaphore_mem>>, %arg12: memref<!tpu.dma_semaphore, #tpu.memory_space<semaphore_mem>>, %arg13: memref<!tpu.dma_semaphore, #tpu.memory_space<semaphore_mem>>, %arg14: memref<!tpu.dma_semaphore, #tpu.memory_space<semaphore_mem>>, %arg15: memref<!tpu.dma_semaphore, #tpu.memory_space<semaphore_mem>>, %arg16: memref<!tpu.dma_semaphore, #tpu.memory_space<semaphore_mem>>) attributes {dimension_semantics = [#tpu.dimension_semantics<core_parallel>, #tpu.dimension_semantics<subcore_parallel>], iteration_bounds = array<i64: 2, 16>, scalar_prefetch = 0 : i64, scratch_operands = 11 : i64, tpu.core_type = #tpu.core_type<sc_vector_subcore>, window_params = [{transform_indices = #map}, {transform_indices = #map1}, {transform_indices = #map1}, {transform_indices = #map1}]} {
    %mul3A = arith.constant 16 : i32
    %mul3A_0 = arith.muli %arg0, %mul3A : i32
    %add3A = arith.addi %mul3A_0, %arg1 : i32
    %eq3A = arith.constant 31 : i32
    %eq3A_1 = arith.cmpi eq, %add3A, %eq3A : i32
    %jit3A = arith.constant 20 : i32
    %jit3A_2 = arith.constant 80 : i32
    %select_n3A = arith.select %eq3A_1, %jit3A, %jit3A_2 : i32
    %jit3A_3 = arith.constant 2 : i32
    %div3A = arith.divsi %select_n3A, %jit3A_3 : i32
    %sign3A = arith.constant 0 : i32
    %sign3A_4 = arith.cmpi sgt, %select_n3A, %sign3A : i32
    %sign3A_5 = arith.extui %sign3A_4 : i1 to i32
    %sign3A_6 = arith.constant 0 : i32
    %sign3A_7 = arith.cmpi slt, %select_n3A, %sign3A_6 : i32
    %sign3A_8 = arith.extui %sign3A_7 : i1 to i32
    %sign3A_9 = arith.subi %sign3A_5, %sign3A_8 : i32
    %sign3A_10 = arith.constant 0 : i32
    %sign3A_11 = arith.cmpi sgt, %jit3A_3, %sign3A_10 : i32
    %sign3A_12 = arith.extui %sign3A_11 : i1 to i32
    %sign3A_13 = arith.constant 0 : i32
    %sign3A_14 = arith.cmpi slt, %jit3A_3, %sign3A_13 : i32
    %sign3A_15 = arith.extui %sign3A_14 : i1 to i32
    %sign3A_16 = arith.subi %sign3A_12, %sign3A_15 : i32
    %ne3A = arith.cmpi ne, %sign3A_9, %sign3A_16 : i32
    %rem3A = arith.remsi %select_n3A, %jit3A_3 : i32
    %ne3A_17 = arith.constant 0 : i32
    %ne3A_18 = arith.cmpi ne, %rem3A, %ne3A_17 : i32
    %and3A = arith.andi %ne3A, %ne3A_18 : i1
    %sub3A = arith.constant 1 : i32
    %sub3A_19 = arith.subi %div3A, %sub3A : i32
    %select_n3A_20 = arith.select %and3A, %sub3A_19, %div3A : i32
    %scan3A = arith.constant 0 : i32
    %scan3A_21 = arith.constant 0 : i32
    %scan3A_22 = arith.constant 128 : i32
    %scan3A_23 = arith.addi %scan3A_21, %scan3A_22 : i32
    %scan3A_24 = arith.constant 1 : i32
    %scan3A_25 = scf.for %scan3A_85 = %scan3A_21 to %scan3A_23 step %scan3A_24 iter_args(%scan3A_86 = %scan3A) -> (i32)  : i32 {
      %broadcast_in_dim3A = arith.constant 0.000000e+00 : f32
      %broadcast_in_dim3A_87 = vector.broadcast %broadcast_in_dim3A : f32 to vector<16xf32>
      %swap3A = arith.index_cast %scan3A_85 : i32 to index
      %swap3A_88 = arith.constant 0 : index
      %swap3A_89 = tpu.vector_load %arg9[%swap3A, %swap3A_88] {strides = array<i32>} : memref<128x128xf32, #tpu.memory_space<vmem>>, vector<1x16xf32>,
      %swap3A_90 = vector.shape_cast %swap3A_89 : vector<1x16xf32> to vector<16xf32>
      %swap3A_91 = vector.shape_cast %broadcast_in_dim3A_87 : vector<16xf32> to vector<1x16xf32>
      tpu.vector_store %arg9[%swap3A, %swap3A_88], %swap3A_91 {strides = array<i32>} : memref<128x128xf32, #tpu.memory_space<vmem>>, vector<1x16xf32>,
      %broadcast_in_dim3A_92 = arith.constant 0.000000e+00 : f32
      %broadcast_in_dim3A_93 = vector.broadcast %broadcast_in_dim3A_92 : f32 to vector<16xf32>
      %swap3A_94 = arith.index_cast %scan3A_85 : i32 to index
      %swap3A_95 = arith.constant 16 : index
      %swap3A_96 = tpu.vector_load %arg9[%swap3A_94, %swap3A_95] {strides = array<i32>} : memref<128x128xf32, #tpu.memory_space<vmem>>, vector<1x16xf32>,
      %swap3A_97 = vector.shape_cast %swap3A_96 : vector<1x16xf32> to vector<16xf32>
      %swap3A_98 = vector.shape_cast %broadcast_in_dim3A_93 : vector<16xf32> to vector<1x16xf32>
      tpu.vector_store %arg9[%swap3A_94, %swap3A_95], %swap3A_98 {strides = array<i32>} : memref<128x128xf32, #tpu.memory_space<vmem>>, vector<1x16xf32>,
      %broadcast_in_dim3A_99 = arith.constant 0.000000e+00 : f32
      %broadcast_in_dim3A_100 = vector.broadcast %broadcast_in_dim3A_99 : f32 to vector<16xf32>
      %swap3A_101 = arith.index_cast %scan3A_85 : i32 to index
      %swap3A_102 = arith.constant 32 : index
      %swap3A_103 = tpu.vector_load %arg9[%swap3A_101, %swap3A_102] {strides = array<i32>} : memref<128x128xf32, #tpu.memory_space<vmem>>, vector<1x16xf32>,
      %swap3A_104 = vector.shape_cast %swap3A_103 : vector<1x16xf32> to vector<16xf32>
      %swap3A_105 = vector.shape_cast %broadcast_in_dim3A_100 : vector<16xf32> to vector<1x16xf32>
      tpu.vector_store %arg9[%swap3A_101, %swap3A_102], %swap3A_105 {strides = array<i32>} : memref<128x128xf32, #tpu.memory_space<vmem>>, vector<1x16xf32>,
      %broadcast_in_dim3A_106 = arith.constant 0.000000e+00 : f32
      %broadcast_in_dim3A_107 = vector.broadcast %broadcast_in_dim3A_106 : f32 to vector<16xf32>
      %swap3A_108 = arith.index_cast %scan3A_85 : i32 to index
      %swap3A_109 = arith.constant 48 : index
      %swap3A_110 = tpu.vector_load %arg9[%swap3A_108, %swap3A_109] {strides = array<i32>} : memref<128x128xf32, #tpu.memory_space<vmem>>, vector<1x16xf32>,
      %swap3A_111 = vector.shape_cast %swap3A_110 : vector<1x16xf32> to vector<16xf32>
      %swap3A_112 = vector.shape_cast %broadcast_in_dim3A_107 : vector<16xf32> to vector<1x16xf32>
      tpu.vector_store %arg9[%swap3A_108, %swap3A_109], %swap3A_112 {strides = array<i32>} : memref<128x128xf32, #tpu.memory_space<vmem>>, vector<1x16xf32>,
      %broadcast_in_dim3A_113 = arith.constant 0.000000e+00 : f32
      %broadcast_in_dim3A_114 = vector.broadcast %broadcast_in_dim3A_113 : f32 to vector<16xf32>
      %swap3A_115 = arith.index_cast %scan3A_85 : i32 to index
      %swap3A_116 = arith.constant 64 : index
      %swap3A_117 = tpu.vector_load %arg9[%swap3A_115, %swap3A_116] {strides = array<i32>} : memref<128x128xf32, #tpu.memory_space<vmem>>, vector<1x16xf32>,
      %swap3A_118 = vector.shape_cast %swap3A_117 : vector<1x16xf32> to vector<16xf32>
      %swap3A_119 = vector.shape_cast %broadcast_in_dim3A_114 : vector<16xf32> to vector<1x16xf32>
      tpu.vector_store %arg9[%swap3A_115, %swap3A_116], %swap3A_119 {strides = array<i32>} : memref<128x128xf32, #tpu.memory_space<vmem>>, vector<1x16xf32>,
      %broadcast_in_dim3A_120 = arith.constant 0.000000e+00 : f32
      %broadcast_in_dim3A_121 = vector.broadcast %broadcast_in_dim3A_120 : f32 to vector<16xf32>
      %swap3A_122 = arith.index_cast %scan3A_85 : i32 to index
      %swap3A_123 = arith.constant 80 : index
      %swap3A_124 = tpu.vector_load %arg9[%swap3A_122, %swap3A_123] {strides = array<i32>} : memref<128x128xf32, #tpu.memory_space<vmem>>, vector<1x16xf32>,
      %swap3A_125 = vector.shape_cast %swap3A_124 : vector<1x16xf32> to vector<16xf32>
      %swap3A_126 = vector.shape_cast %broadcast_in_dim3A_121 : vector<16xf32> to vector<1x16xf32>
      tpu.vector_store %arg9[%swap3A_122, %swap3A_123], %swap3A_126 {strides = array<i32>} : memref<128x128xf32, #tpu.memory_space<vmem>>, vector<1x16xf32>,
      %broadcast_in_dim3A_127 = arith.constant 0.000000e+00 : f32
      %broadcast_in_dim3A_128 = vector.broadcast %broadcast_in_dim3A_127 : f32 to vector<16xf32>
      %swap3A_129 = arith.index_cast %scan3A_85 : i32 to index
      %swap3A_130 = arith.constant 96 : index
      %swap3A_131 = tpu.vector_load %arg9[%swap3A_129, %swap3A_130] {strides = array<i32>} : memref<128x128xf32, #tpu.memory_space<vmem>>, vector<1x16xf32>,
      %swap3A_132 = vector.shape_cast %swap3A_131 : vector<1x16xf32> to vector<16xf32>
      %swap3A_133 = vector.shape_cast %broadcast_in_dim3A_128 : vector<16xf32> to vector<1x16xf32>
      tpu.vector_store %arg9[%swap3A_129, %swap3A_130], %swap3A_133 {strides = array<i32>} : memref<128x128xf32, #tpu.memory_space<vmem>>, vector<1x16xf32>,
      %broadcast_in_dim3A_134 = arith.constant 0.000000e+00 : f32
      %broadcast_in_dim3A_135 = vector.broadcast %broadcast_in_dim3A_134 : f32 to vector<16xf32>
      %swap3A_136 = arith.index_cast %scan3A_85 : i32 to index
      %swap3A_137 = arith.constant 112 : index
      %swap3A_138 = tpu.vector_load %arg9[%swap3A_136, %swap3A_137] {strides = array<i32>} : memref<128x128xf32, #tpu.memory_space<vmem>>, vector<1x16xf32>,
      %swap3A_139 = vector.shape_cast %swap3A_138 : vector<1x16xf32> to vector<16xf32>
      %swap3A_140 = vector.shape_cast %broadcast_in_dim3A_135 : vector<16xf32> to vector<1x16xf32>
      tpu.vector_store %arg9[%swap3A_136, %swap3A_137], %swap3A_140 {strides = array<i32>} : memref<128x128xf32, #tpu.memory_space<vmem>>, vector<1x16xf32>,
      %scan3A_141 = arith.constant 0 : i32
      scf.yield %scan3A_141 : i32
    }
    %scan3A_26 = arith.constant 128 : i32
    %mul3A_27 = arith.constant 640 : i32
    %mul3A_28 = arith.muli %arg1, %mul3A_27 : i32
    %add3A_29 = arith.constant 0 : i32
    %add3A_30 = arith.addi %mul3A_28, %add3A_29 : i32
    "tpu.region"() ({
      %run_scoped3A_85 = tpu.sem_alloc : memref<!tpu.dma_semaphore, #tpu.memory_space<semaphore_mem>>
      %dma_start3A_86 = arith.constant 0 : i32
      %dma_start3A_87 = tpu.memref_slice %arg6[%add3A_30, %dma_start3A_86] : memref<10240x128xf32, #tpu.memory_space<vmem_shared>> -> memref<128x128xf32, #tpu.memory_space<vmem_shared>>
      %dma_start3A_88 = arith.constant 0 : i32
      %dma_start3A_89 = tpu.memref_slice %arg6[%add3A_30, %dma_start3A_88] : memref<10240x128xf32, #tpu.memory_space<vmem_shared>> -> memref<128x128xf32, #tpu.memory_space<vmem_shared>>
      tpu.enqueue_dma source(%arg9 : memref<128x128xf32, #tpu.memory_space<vmem>>) target(%dma_start3A_89 : memref<128x128xf32, #tpu.memory_space<vmem_shared>>) target_semaphore(%run_scoped3A_85 : memref<!tpu.dma_semaphore, #tpu.memory_space<semaphore_mem>>)
      %dma_wait3A = arith.constant 0 : i32
      %dma_wait3A_90 = tpu.memref_slice %arg6[%add3A_30, %dma_wait3A] : memref<10240x128xf32, #tpu.memory_space<vmem_shared>> -> memref<128x128xf32, #tpu.memory_space<vmem_shared>>
      %dma_wait3A_91 = arith.constant 0 : i32
      %dma_wait3A_92 = tpu.memref_slice %arg6[%add3A_30, %dma_wait3A_91] : memref<10240x128xf32, #tpu.memory_space<vmem_shared>> -> memref<128x128xf32, #tpu.memory_space<vmem_shared>>
      tpu.wait_dma2 semaphore(%run_scoped3A_85 : memref<!tpu.dma_semaphore, #tpu.memory_space<semaphore_mem>>) src(%arg9 : memref<128x128xf32, #tpu.memory_space<vmem>>) dst(%dma_wait3A_92 : memref<128x128xf32, #tpu.memory_space<vmem_shared>>)
      tpu.yield
    }) : () -> ()
    %mul3A_31 = arith.constant 640 : i32
    %mul3A_32 = arith.muli %arg1, %mul3A_31 : i32
    %add3A_33 = arith.constant 128 : i32
    %add3A_34 = arith.addi %mul3A_32, %add3A_33 : i32
    "tpu.region"() ({
      %run_scoped3A_85 = tpu.sem_alloc : memref<!tpu.dma_semaphore, #tpu.memory_space<semaphore_mem>>
      %dma_start3A_86 = arith.constant 0 : i32
      %dma_start3A_87 = tpu.memref_slice %arg6[%add3A_34, %dma_start3A_86] : memref<10240x128xf32, #tpu.memory_space<vmem_shared>> -> memref<128x128xf32, #tpu.memory_space<vmem_shared>>
      %dma_start3A_88 = arith.constant 0 : i32
      %dma_start3A_89 = tpu.memref_slice %arg6[%add3A_34, %dma_start3A_88] : memref<10240x128xf32, #tpu.memory_space<vmem_shared>> -> memref<128x128xf32, #tpu.memory_space<vmem_shared>>
      tpu.enqueue_dma source(%arg9 : memref<128x128xf32, #tpu.memory_space<vmem>>) target(%dma_start3A_89 : memref<128x128xf32, #tpu.memory_space<vmem_shared>>) target_semaphore(%run_scoped3A_85 : memref<!tpu.dma_semaphore, #tpu.memory_space<semaphore_mem>>)
      %dma_wait3A = arith.constant 0 : i32
      %dma_wait3A_90 = tpu.memref_slice %arg6[%add3A_34, %dma_wait3A] : memref<10240x128xf32, #tpu.memory_space<vmem_shared>> -> memref<128x128xf32, #tpu.memory_space<vmem_shared>>
      %dma_wait3A_91 = arith.constant 0 : i32
      %dma_wait3A_92 = tpu.memref_slice %arg6[%add3A_34, %dma_wait3A_91] : memref<10240x128xf32, #tpu.memory_space<vmem_shared>> -> memref<128x128xf32, #tpu.memory_space<vmem_shared>>
      tpu.wait_dma2 semaphore(%run_scoped3A_85 : memref<!tpu.dma_semaphore, #tpu.memory_space<semaphore_mem>>) src(%arg9 : memref<128x128xf32, #tpu.memory_space<vmem>>) dst(%dma_wait3A_92 : memref<128x128xf32, #tpu.memory_space<vmem_shared>>)
      tpu.yield
    }) : () -> ()
    %mul3A_35 = arith.constant 640 : i32
    %mul3A_36 = arith.muli %arg1, %mul3A_35 : i32
    %add3A_37 = arith.constant 256 : i32
    %add3A_38 = arith.addi %mul3A_36, %add3A_37 : i32
    "tpu.region"() ({
      %run_scoped3A_85 = tpu.sem_alloc : memref<!tpu.dma_semaphore, #tpu.memory_space<semaphore_mem>>
      %dma_start3A_86 = arith.constant 0 : i32
      %dma_start3A_87 = tpu.memref_slice %arg6[%add3A_38, %dma_start3A_86] : memref<10240x128xf32, #tpu.memory_space<vmem_shared>> -> memref<128x128xf32, #tpu.memory_space<vmem_shared>>
      %dma_start3A_88 = arith.constant 0 : i32
      %dma_start3A_89 = tpu.memref_slice %arg6[%add3A_38, %dma_start3A_88] : memref<10240x128xf32, #tpu.memory_space<vmem_shared>> -> memref<128x128xf32, #tpu.memory_space<vmem_shared>>
      tpu.enqueue_dma source(%arg9 : memref<128x128xf32, #tpu.memory_space<vmem>>) target(%dma_start3A_89 : memref<128x128xf32, #tpu.memory_space<vmem_shared>>) target_semaphore(%run_scoped3A_85 : memref<!tpu.dma_semaphore, #tpu.memory_space<semaphore_mem>>)
      %dma_wait3A = arith.constant 0 : i32
      %dma_wait3A_90 = tpu.memref_slice %arg6[%add3A_38, %dma_wait3A] : memref<10240x128xf32, #tpu.memory_space<vmem_shared>> -> memref<128x128xf32, #tpu.memory_space<vmem_shared>>
      %dma_wait3A_91 = arith.constant 0 : i32
      %dma_wait3A_92 = tpu.memref_slice %arg6[%add3A_38, %dma_wait3A_91] : memref<10240x128xf32, #tpu.memory_space<vmem_shared>> -> memref<128x128xf32, #tpu.memory_space<vmem_shared>>
      tpu.wait_dma2 semaphore(%run_scoped3A_85 : memref<!tpu.dma_semaphore, #tpu.memory_space<semaphore_mem>>) src(%arg9 : memref<128x128xf32, #tpu.memory_space<vmem>>) dst(%dma_wait3A_92 : memref<128x128xf32, #tpu.memory_space<vmem_shared>>)
      tpu.yield
    }) : () -> ()
    %mul3A_39 = arith.constant 640 : i32
    %mul3A_40 = arith.muli %arg1, %mul3A_39 : i32
    %add3A_41 = arith.constant 384 : i32
    %add3A_42 = arith.addi %mul3A_40, %add3A_41 : i32
    "tpu.region"() ({
      %run_scoped3A_85 = tpu.sem_alloc : memref<!tpu.dma_semaphore, #tpu.memory_space<semaphore_mem>>
      %dma_start3A_86 = arith.constant 0 : i32
      %dma_start3A_87 = tpu.memref_slice %arg6[%add3A_42, %dma_start3A_86] : memref<10240x128xf32, #tpu.memory_space<vmem_shared>> -> memref<128x128xf32, #tpu.memory_space<vmem_shared>>
      %dma_start3A_88 = arith.constant 0 : i32
      %dma_start3A_89 = tpu.memref_slice %arg6[%add3A_42, %dma_start3A_88] : memref<10240x128xf32, #tpu.memory_space<vmem_shared>> -> memref<128x128xf32, #tpu.memory_space<vmem_shared>>
      tpu.enqueue_dma source(%arg9 : memref<128x128xf32, #tpu.memory_space<vmem>>) target(%dma_start3A_89 : memref<128x128xf32, #tpu.memory_space<vmem_shared>>) target_semaphore(%run_scoped3A_85 : memref<!tpu.dma_semaphore, #tpu.memory_space<semaphore_mem>>)
      %dma_wait3A = arith.constant 0 : i32
      %dma_wait3A_90 = tpu.memref_slice %arg6[%add3A_42, %dma_wait3A] : memref<10240x128xf32, #tpu.memory_space<vmem_shared>> -> memref<128x128xf32, #tpu.memory_space<vmem_shared>>
      %dma_wait3A_91 = arith.constant 0 : i32
      %dma_wait3A_92 = tpu.memref_slice %arg6[%add3A_42, %dma_wait3A_91] : memref<10240x128xf32, #tpu.memory_space<vmem_shared>> -> memref<128x128xf32, #tpu.memory_space<vmem_shared>>
      tpu.wait_dma2 semaphore(%run_scoped3A_85 : memref<!tpu.dma_semaphore, #tpu.memory_space<semaphore_mem>>) src(%arg9 : memref<128x128xf32, #tpu.memory_space<vmem>>) dst(%dma_wait3A_92 : memref<128x128xf32, #tpu.memory_space<vmem_shared>>)
      tpu.yield
    }) : () -> ()
    %mul3A_43 = arith.constant 640 : i32
    %mul3A_44 = arith.muli %arg1, %mul3A_43 : i32
    %add3A_45 = arith.constant 512 : i32
    %add3A_46 = arith.addi %mul3A_44, %add3A_45 : i32
    "tpu.region"() ({
      %run_scoped3A_85 = tpu.sem_alloc : memref<!tpu.dma_semaphore, #tpu.memory_space<semaphore_mem>>
      %dma_start3A_86 = arith.constant 0 : i32
      %dma_start3A_87 = tpu.memref_slice %arg6[%add3A_46, %dma_start3A_86] : memref<10240x128xf32, #tpu.memory_space<vmem_shared>> -> memref<128x128xf32, #tpu.memory_space<vmem_shared>>
      %dma_start3A_88 = arith.constant 0 : i32
      %dma_start3A_89 = tpu.memref_slice %arg6[%add3A_46, %dma_start3A_88] : memref<10240x128xf32, #tpu.memory_space<vmem_shared>> -> memref<128x128xf32, #tpu.memory_space<vmem_shared>>
      tpu.enqueue_dma source(%arg9 : memref<128x128xf32, #tpu.memory_space<vmem>>) target(%dma_start3A_89 : memref<128x128xf32, #tpu.memory_space<vmem_shared>>) target_semaphore(%run_scoped3A_85 : memref<!tpu.dma_semaphore, #tpu.memory_space<semaphore_mem>>)
      %dma_wait3A = arith.constant 0 : i32
      %dma_wait3A_90 = tpu.memref_slice %arg6[%add3A_46, %dma_wait3A] : memref<10240x128xf32, #tpu.memory_space<vmem_shared>> -> memref<128x128xf32, #tpu.memory_space<vmem_shared>>
      %dma_wait3A_91 = arith.constant 0 : i32
      %dma_wait3A_92 = tpu.memref_slice %arg6[%add3A_46, %dma_wait3A_91] : memref<10240x128xf32, #tpu.memory_space<vmem_shared>> -> memref<128x128xf32, #tpu.memory_space<vmem_shared>>
      tpu.wait_dma2 semaphore(%run_scoped3A_85 : memref<!tpu.dma_semaphore, #tpu.memory_space<semaphore_mem>>) src(%arg9 : memref<128x128xf32, #tpu.memory_space<vmem>>) dst(%dma_wait3A_92 : memref<128x128xf32, #tpu.memory_space<vmem_shared>>)
      tpu.yield
    }) : () -> ()
    %barrier3A = arith.constant 0 : index
    tpu.barrier barrier_id(%barrier3A)
    "tpu.region"() ({
      %run_scoped3A_85 = tpu.sem_alloc : memref<!tpu.dma_semaphore, #tpu.memory_space<semaphore_mem>>
      %dma_start3A_86 = arith.constant 0 : i32
      %dma_start3A_87 = arith.constant 0 : i32
      %dma_start3A_88 = tpu.memref_slice %arg4[%add3A, %dma_start3A_86, %dma_start3A_87] : memref<32x80x128xi32, #tpu.memory_space<hbm>> -> memref<1x80x128xi32, #tpu.memory_space<hbm>>
      %dma_start3A_89 = tpu.memref_squeeze %dma_start3A_88 : memref<1x80x128xi32, #tpu.memory_space<hbm>> -> memref<80x128xi32, #tpu.memory_space<hbm>>
      %dma_start3A_90 = arith.constant 0 : i32
      %dma_start3A_91 = arith.constant 0 : i32
      %dma_start3A_92 = tpu.memref_slice %arg4[%add3A, %dma_start3A_90, %dma_start3A_91] : memref<32x80x128xi32, #tpu.memory_space<hbm>> -> memref<1x80x128xi32, #tpu.memory_space<hbm>>
      %dma_start3A_93 = tpu.memref_squeeze %dma_start3A_92 : memref<1x80x128xi32, #tpu.memory_space<hbm>> -> memref<80x128xi32, #tpu.memory_space<hbm>>
      tpu.enqueue_dma source(%dma_start3A_93 : memref<80x128xi32, #tpu.memory_space<hbm>>) target(%arg7 : memref<80x128xi32, #tpu.memory_space<vmem>>) target_semaphore(%run_scoped3A_85 : memref<!tpu.dma_semaphore, #tpu.memory_space<semaphore_mem>>)
      %dma_wait3A = arith.constant 0 : i32
      %dma_wait3A_94 = arith.constant 0 : i32
      %dma_wait3A_95 = tpu.memref_slice %arg4[%add3A, %dma_wait3A, %dma_wait3A_94] : memref<32x80x128xi32, #tpu.memory_space<hbm>> -> memref<1x80x128xi32, #tpu.memory_space<hbm>>
      %dma_wait3A_96 = tpu.memref_squeeze %dma_wait3A_95 : memref<1x80x128xi32, #tpu.memory_space<hbm>> -> memref<80x128xi32, #tpu.memory_space<hbm>>
      %dma_wait3A_97 = arith.constant 0 : i32
      %dma_wait3A_98 = arith.constant 0 : i32
      %dma_wait3A_99 = tpu.memref_slice %arg4[%add3A, %dma_wait3A_97, %dma_wait3A_98] : memref<32x80x128xi32, #tpu.memory_space<hbm>> -> memref<1x80x128xi32, #tpu.memory_space<hbm>>
      %dma_wait3A_100 = tpu.memref_squeeze %dma_wait3A_99 : memref<1x80x128xi32, #tpu.memory_space<hbm>> -> memref<80x128xi32, #tpu.memory_space<hbm>>
      tpu.wait_dma2 semaphore(%run_scoped3A_85 : memref<!tpu.dma_semaphore, #tpu.memory_space<semaphore_mem>>) src(%dma_wait3A_100 : memref<80x128xi32, #tpu.memory_space<hbm>>) dst(%arg7 : memref<80x128xi32, #tpu.memory_space<vmem>>)
      tpu.yield
    }) : () -> ()
    %run_scoped3A = arith.constant 0 : i32
    %run_scoped3A_47 = arith.constant 0 : i32
    "tpu.region"() ({
      %run_scoped3A_85 = tpu.sem_alloc : memref<!tpu.dma_semaphore, #tpu.memory_space<semaphore_mem>>
      %dma_start3A_86 = arith.constant 0 : i32
      %dma_start3A_87 = tpu.memref_slice %arg8[%run_scoped3A_47, %dma_start3A_86] : memref<2x128xi32, #tpu.memory_space<vmem>> -> memref<1x128xi32, #tpu.memory_space<vmem>>
      %dma_start3A_88 = tpu.memref_squeeze %dma_start3A_87 : memref<1x128xi32, #tpu.memory_space<vmem>> -> memref<128xi32, #tpu.memory_space<vmem>>
      %dma_start3A_89 = arith.constant 0 : i32
      %dma_start3A_90 = tpu.memref_slice %arg3[%add3A, %run_scoped3A, %dma_start3A_89] : memref<32x80x128xi32, #tpu.memory_space<hbm>> -> memref<1x1x128xi32, #tpu.memory_space<hbm>>
      %dma_start3A_91 = tpu.memref_squeeze %dma_start3A_90 : memref<1x1x128xi32, #tpu.memory_space<hbm>> -> memref<128xi32, #tpu.memory_space<hbm>>
      %dma_start3A_92 = arith.constant 0 : i32
      %dma_start3A_93 = tpu.memref_slice %arg8[%run_scoped3A_47, %dma_start3A_92] : memref<2x128xi32, #tpu.memory_space<vmem>> -> memref<1x128xi32, #tpu.memory_space<vmem>>
      %dma_start3A_94 = tpu.memref_squeeze %dma_start3A_93 : memref<1x128xi32, #tpu.memory_space<vmem>> -> memref<128xi32, #tpu.memory_space<vmem>>
      %dma_start3A_95 = arith.constant 0 : i32
      %dma_start3A_96 = tpu.memref_slice %arg3[%add3A, %run_scoped3A, %dma_start3A_95] : memref<32x80x128xi32, #tpu.memory_space<hbm>> -> memref<1x1x128xi32, #tpu.memory_space<hbm>>
      %dma_start3A_97 = tpu.memref_squeeze %dma_start3A_96 : memref<1x1x128xi32, #tpu.memory_space<hbm>> -> memref<128xi32, #tpu.memory_space<hbm>>
      tpu.enqueue_dma source(%dma_start3A_97 : memref<128xi32, #tpu.memory_space<hbm>>) target(%dma_start3A_94 : memref<128xi32, #tpu.memory_space<vmem>>) target_semaphore(%run_scoped3A_85 : memref<!tpu.dma_semaphore, #tpu.memory_space<semaphore_mem>>)
      %dma_wait3A = arith.constant 0 : i32
      %dma_wait3A_98 = tpu.memref_slice %arg8[%run_scoped3A_47, %dma_wait3A] : memref<2x128xi32, #tpu.memory_space<vmem>> -> memref<1x128xi32, #tpu.memory_space<vmem>>
      %dma_wait3A_99 = tpu.memref_squeeze %dma_wait3A_98 : memref<1x128xi32, #tpu.memory_space<vmem>> -> memref<128xi32, #tpu.memory_space<vmem>>
      %dma_wait3A_100 = arith.constant 0 : i32
      %dma_wait3A_101 = tpu.memref_slice %arg3[%add3A, %run_scoped3A, %dma_wait3A_100] : memref<32x80x128xi32, #tpu.memory_space<hbm>> -> memref<1x1x128xi32, #tpu.memory_space<hbm>>
      %dma_wait3A_102 = tpu.memref_squeeze %dma_wait3A_101 : memref<1x1x128xi32, #tpu.memory_space<hbm>> -> memref<128xi32, #tpu.memory_space<hbm>>
      %dma_wait3A_103 = arith.constant 0 : i32
      %dma_wait3A_104 = tpu.memref_slice %arg8[%run_scoped3A_47, %dma_wait3A_103] : memref<2x128xi32, #tpu.memory_space<vmem>> -> memref<1x128xi32, #tpu.memory_space<vmem>>
      %dma_wait3A_105 = tpu.memref_squeeze %dma_wait3A_104 : memref<1x128xi32, #tpu.memory_space<vmem>> -> memref<128xi32, #tpu.memory_space<vmem>>
      %dma_wait3A_106 = arith.constant 0 : i32
      %dma_wait3A_107 = tpu.memref_slice %arg3[%add3A, %run_scoped3A, %dma_wait3A_106] : memref<32x80x128xi32, #tpu.memory_space<hbm>> -> memref<1x1x128xi32, #tpu.memory_space<hbm>>
      %dma_wait3A_108 = tpu.memref_squeeze %dma_wait3A_107 : memref<1x1x128xi32, #tpu.memory_space<hbm>> -> memref<128xi32, #tpu.memory_space<hbm>>
      tpu.wait_dma2 semaphore(%run_scoped3A_85 : memref<!tpu.dma_semaphore, #tpu.memory_space<semaphore_mem>>) src(%dma_wait3A_108 : memref<128xi32, #tpu.memory_space<hbm>>) dst(%dma_wait3A_105 : memref<128xi32, #tpu.memory_space<vmem>>)
      tpu.yield
    }) : () -> ()
    %run_scoped3A_48 = arith.constant 1 : i32
    %run_scoped3A_49 = arith.constant 1 : i32
    "tpu.region"() ({
      %run_scoped3A_85 = tpu.sem_alloc : memref<!tpu.dma_semaphore, #tpu.memory_space<semaphore_mem>>
      %dma_start3A_86 = arith.constant 0 : i32
      %dma_start3A_87 = tpu.memref_slice %arg8[%run_scoped3A_49, %dma_start3A_86] : memref<2x128xi32, #tpu.memory_space<vmem>> -> memref<1x128xi32, #tpu.memory_space<vmem>>
      %dma_start3A_88 = tpu.memref_squeeze %dma_start3A_87 : memref<1x128xi32, #tpu.memory_space<vmem>> -> memref<128xi32, #tpu.memory_space<vmem>>
      %dma_start3A_89 = arith.constant 0 : i32
      %dma_start3A_90 = tpu.memref_slice %arg3[%add3A, %run_scoped3A_48, %dma_start3A_89] : memref<32x80x128xi32, #tpu.memory_space<hbm>> -> memref<1x1x128xi32, #tpu.memory_space<hbm>>
      %dma_start3A_91 = tpu.memref_squeeze %dma_start3A_90 : memref<1x1x128xi32, #tpu.memory_space<hbm>> -> memref<128xi32, #tpu.memory_space<hbm>>
      %dma_start3A_92 = arith.constant 0 : i32
      %dma_start3A_93 = tpu.memref_slice %arg8[%run_scoped3A_49, %dma_start3A_92] : memref<2x128xi32, #tpu.memory_space<vmem>> -> memref<1x128xi32, #tpu.memory_space<vmem>>
      %dma_start3A_94 = tpu.memref_squeeze %dma_start3A_93 : memref<1x128xi32, #tpu.memory_space<vmem>> -> memref<128xi32, #tpu.memory_space<vmem>>
      %dma_start3A_95 = arith.constant 0 : i32
      %dma_start3A_96 = tpu.memref_slice %arg3[%add3A, %run_scoped3A_48, %dma_start3A_95] : memref<32x80x128xi32, #tpu.memory_space<hbm>> -> memref<1x1x128xi32, #tpu.memory_space<hbm>>
      %dma_start3A_97 = tpu.memref_squeeze %dma_start3A_96 : memref<1x1x128xi32, #tpu.memory_space<hbm>> -> memref<128xi32, #tpu.memory_space<hbm>>
      tpu.enqueue_dma source(%dma_start3A_97 : memref<128xi32, #tpu.memory_space<hbm>>) target(%dma_start3A_94 : memref<128xi32, #tpu.memory_space<vmem>>) target_semaphore(%run_scoped3A_85 : memref<!tpu.dma_semaphore, #tpu.memory_space<semaphore_mem>>)
      %dma_wait3A = arith.constant 0 : i32
      %dma_wait3A_98 = tpu.memref_slice %arg8[%run_scoped3A_49, %dma_wait3A] : memref<2x128xi32, #tpu.memory_space<vmem>> -> memref<1x128xi32, #tpu.memory_space<vmem>>
      %dma_wait3A_99 = tpu.memref_squeeze %dma_wait3A_98 : memref<1x128xi32, #tpu.memory_space<vmem>> -> memref<128xi32, #tpu.memory_space<vmem>>
      %dma_wait3A_100 = arith.constant 0 : i32
      %dma_wait3A_101 = tpu.memref_slice %arg3[%add3A, %run_scoped3A_48, %dma_wait3A_100] : memref<32x80x128xi32, #tpu.memory_space<hbm>> -> memref<1x1x128xi32, #tpu.memory_space<hbm>>
      %dma_wait3A_102 = tpu.memref_squeeze %dma_wait3A_101 : memref<1x1x128xi32, #tpu.memory_space<hbm>> -> memref<128xi32, #tpu.memory_space<hbm>>
      %dma_wait3A_103 = arith.constant 0 : i32
      %dma_wait3A_104 = tpu.memref_slice %arg8[%run_scoped3A_49, %dma_wait3A_103] : memref<2x128xi32, #tpu.memory_space<vmem>> -> memref<1x128xi32, #tpu.memory_space<vmem>>
      %dma_wait3A_105 = tpu.memref_squeeze %dma_wait3A_104 : memref<1x128xi32, #tpu.memory_space<vmem>> -> memref<128xi32, #tpu.memory_space<vmem>>
      %dma_wait3A_106 = arith.constant 0 : i32
      %dma_wait3A_107 = tpu.memref_slice %arg3[%add3A, %run_scoped3A_48, %dma_wait3A_106] : memref<32x80x128xi32, #tpu.memory_space<hbm>> -> memref<1x1x128xi32, #tpu.memory_space<hbm>>
      %dma_wait3A_108 = tpu.memref_squeeze %dma_wait3A_107 : memref<1x1x128xi32, #tpu.memory_space<hbm>> -> memref<128xi32, #tpu.memory_space<hbm>>
      tpu.wait_dma2 semaphore(%run_scoped3A_85 : memref<!tpu.dma_semaphore, #tpu.memory_space<semaphore_mem>>) src(%dma_wait3A_108 : memref<128xi32, #tpu.memory_space<hbm>>) dst(%dma_wait3A_105 : memref<128xi32, #tpu.memory_space<vmem>>)
      tpu.yield
    }) : () -> ()
    %dma_start3A = arith.constant 0 : i32
    %dma_start3A_50 = arith.constant 0 : i32
    %dma_start3A_51 = arith.constant 0 : i32
    %dma_start3A_52 = tpu.memref_slice %arg9[%dma_start3A_50, %dma_start3A_51] : memref<128x128xf32, #tpu.memory_space<vmem>> -> memref<64x128xf32, #tpu.memory_space<vmem>>
    %dma_start3A_53 = arith.constant 0 : i32
    %dma_start3A_54 = tpu.memref_slice %arg8[%dma_start3A, %dma_start3A_53] : memref<2x128xi32, #tpu.memory_space<vmem>> -> memref<1x64xi32, #tpu.memory_space<vmem>>
    %dma_start3A_55 = tpu.memref_squeeze %dma_start3A_54 : memref<1x64xi32, #tpu.memory_space<vmem>> -> memref<64xi32, #tpu.memory_space<vmem>>
    %dma_start3A_56 = arith.constant 0 : i32
    %dma_start3A_57 = arith.constant 0 : i32
    %dma_start3A_58 = tpu.memref_slice %arg2[%dma_start3A_56, %dma_start3A_57] : memref<10240x128xf32, #tpu.memory_space<hbm>> -> memref<10240x128xf32, #tpu.memory_space<hbm>>
    tpu.enqueue_indirect_dma source(%dma_start3A_58 : memref<10240x128xf32, #tpu.memory_space<hbm>>) target(%dma_start3A_52 : memref<64x128xf32, #tpu.memory_space<vmem>>) offsets(%dma_start3A_55 : memref<64xi32, #tpu.memory_space<vmem>>) semaphore(%arg11 : memref<!tpu.dma_semaphore, #tpu.memory_space<semaphore_mem>>)
    %dma_start3A_59 = arith.constant 0 : i32
    %dma_start3A_60 = arith.constant 64 : i32
    %dma_start3A_61 = arith.constant 0 : i32
    %dma_start3A_62 = tpu.memref_slice %arg9[%dma_start3A_60, %dma_start3A_61] : memref<128x128xf32, #tpu.memory_space<vmem>> -> memref<64x128xf32, #tpu.memory_space<vmem>>
    %dma_start3A_63 = arith.constant 64 : i32
    %dma_start3A_64 = tpu.memref_slice %arg8[%dma_start3A_59, %dma_start3A_63] : memref<2x128xi32, #tpu.memory_space<vmem>> -> memref<1x64xi32, #tpu.memory_space<vmem>>
    %dma_start3A_65 = tpu.memref_squeeze %dma_start3A_64 : memref<1x64xi32, #tpu.memory_space<vmem>> -> memref<64xi32, #tpu.memory_space<vmem>>
    %dma_start3A_66 = arith.constant 0 : i32
    %dma_start3A_67 = arith.constant 0 : i32
    %dma_start3A_68 = tpu.memref_slice %arg2[%dma_start3A_66, %dma_start3A_67] : memref<10240x128xf32, #tpu.memory_space<hbm>> -> memref<10240x128xf32, #tpu.memory_space<hbm>>
    tpu.enqueue_indirect_dma source(%dma_start3A_68 : memref<10240x128xf32, #tpu.memory_space<hbm>>) target(%dma_start3A_62 : memref<64x128xf32, #tpu.memory_space<vmem>>) offsets(%dma_start3A_65 : memref<64xi32, #tpu.memory_space<vmem>>) semaphore(%arg13 : memref<!tpu.dma_semaphore, #tpu.memory_space<semaphore_mem>>)
    %while3A = arith.constant 0 : i32
    %while3A_69 = arith.constant 0 : i32
    %while3A_70 = arith.subi %select_n3A_20, %while3A : i32
    %while3A_71 = arith.addi %while3A, %while3A_70 : i32
    %while3A_72 = arith.constant 1 : i32
    %while3A_73 = arith.divsi %while3A_70, %while3A_72 : i32
    %while3A_74 = arith.muli %while3A_73, %while3A_72 : i32
    %while3A_75 = arith.addi %while3A, %while3A_74 : i32
    %while3A_76 = arith.constant 1 : i32
    %while3A_77 = scf.for %while3A_85 = %while3A to %while3A_75 step %while3A_76 iter_args(%while3A_86 = %while3A_69) -> (i32)  : i32 {
      %mul3A_87 = arith.constant 2 : i32
      %mul3A_88 = arith.muli %mul3A_87, %while3A_85 : i32
      %add3A_89 = arith.constant 1 : i32
      %add3A_90 = arith.addi %mul3A_88, %add3A_89 : i32
      %add3A_91 = arith.constant 2 : i32
      %add3A_92 = arith.addi %mul3A_88, %add3A_91 : i32
      %min3A = arith.constant 79 : i32
      %min3A_93 = arith.minsi %add3A_92, %min3A : i32
      %add3A_94 = arith.constant 2 : i32
      %add3A_95 = arith.addi %add3A_90, %add3A_94 : i32
      %min3A_96 = arith.constant 79 : i32
      %min3A_97 = arith.minsi %add3A_95, %min3A_96 : i32
      %dma_wait3A = arith.constant 0 : i32
      %dma_wait3A_98 = arith.constant 0 : i32
      %dma_wait3A_99 = arith.constant 0 : i32
      %dma_wait3A_100 = tpu.memref_slice %arg9[%dma_wait3A_98, %dma_wait3A_99] : memref<128x128xf32, #tpu.memory_space<vmem>> -> memref<64x128xf32, #tpu.memory_space<vmem>>
      %dma_wait3A_101 = arith.constant 0 : i32
      %dma_wait3A_102 = tpu.memref_slice %arg8[%dma_wait3A, %dma_wait3A_101] : memref<2x128xi32, #tpu.memory_space<vmem>> -> memref<1x64xi32, #tpu.memory_space<vmem>>
      %dma_wait3A_103 = tpu.memref_squeeze %dma_wait3A_102 : memref<1x64xi32, #tpu.memory_space<vmem>> -> memref<64xi32, #tpu.memory_space<vmem>>
      %dma_wait3A_104 = arith.constant 0 : i32
      %dma_wait3A_105 = arith.constant 0 : i32
      %dma_wait3A_106 = tpu.memref_slice %arg2[%dma_wait3A_104, %dma_wait3A_105] : memref<10240x128xf32, #tpu.memory_space<hbm>> -> memref<10240x128xf32, #tpu.memory_space<hbm>>
      tpu.wait_indirect_dma semaphore(%arg11 : memref<!tpu.dma_semaphore, #tpu.memory_space<semaphore_mem>>) src(%dma_wait3A_106 : memref<10240x128xf32, #tpu.memory_space<hbm>>) dst(%dma_wait3A_100 : memref<64x128xf32, #tpu.memory_space<vmem>>)
      %dma_wait3A_107 = arith.constant 0 : i32
      %dma_wait3A_108 = arith.constant 64 : i32
      %dma_wait3A_109 = arith.constant 0 : i32
      %dma_wait3A_110 = tpu.memref_slice %arg9[%dma_wait3A_108, %dma_wait3A_109] : memref<128x128xf32, #tpu.memory_space<vmem>> -> memref<64x128xf32, #tpu.memory_space<vmem>>
      %dma_wait3A_111 = arith.constant 64 : i32
      %dma_wait3A_112 = tpu.memref_slice %arg8[%dma_wait3A_107, %dma_wait3A_111] : memref<2x128xi32, #tpu.memory_space<vmem>> -> memref<1x64xi32, #tpu.memory_space<vmem>>
      %dma_wait3A_113 = tpu.memref_squeeze %dma_wait3A_112 : memref<1x64xi32, #tpu.memory_space<vmem>> -> memref<64xi32, #tpu.memory_space<vmem>>
      %dma_wait3A_114 = arith.constant 0 : i32
      %dma_wait3A_115 = arith.constant 0 : i32
      %dma_wait3A_116 = tpu.memref_slice %arg2[%dma_wait3A_114, %dma_wait3A_115] : memref<10240x128xf32, #tpu.memory_space<hbm>> -> memref<10240x128xf32, #tpu.memory_space<hbm>>
      tpu.wait_indirect_dma semaphore(%arg13 : memref<!tpu.dma_semaphore, #tpu.memory_space<semaphore_mem>>) src(%dma_wait3A_116 : memref<10240x128xf32, #tpu.memory_space<hbm>>) dst(%dma_wait3A_110 : memref<64x128xf32, #tpu.memory_space<vmem>>)
      %sub3A_117 = arith.constant 1 : i32
      %sub3A_118 = arith.subi %select_n3A_20, %sub3A_117 : i32
      %lt3A = arith.cmpi slt, %while3A_85, %sub3A_118 : i32
      %convert_element_type3A = arith.extui %lt3A : i1 to i32
      %cond3A = arith.constant 0 : i32
      %cond3A_119 = arith.cmpi ne, %convert_element_type3A, %cond3A : i32
      scf.if %cond3A_119 {
        %dma_start3A_177 = arith.constant 0 : i32
        %dma_start3A_178 = arith.constant 0 : i32
        %dma_start3A_179 = tpu.memref_slice %arg8[%dma_start3A_177, %dma_start3A_178] : memref<2x128xi32, #tpu.memory_space<vmem>> -> memref<1x128xi32, #tpu.memory_space<vmem>>
        %dma_start3A_180 = tpu.memref_squeeze %dma_start3A_179 : memref<1x128xi32, #tpu.memory_space<vmem>> -> memref<128xi32, #tpu.memory_space<vmem>>
        %dma_start3A_181 = arith.constant 0 : i32
        %dma_start3A_182 = tpu.memref_slice %arg3[%add3A, %min3A_93, %dma_start3A_181] : memref<32x80x128xi32, #tpu.memory_space<hbm>> -> memref<1x1x128xi32, #tpu.memory_space<hbm>>
        %dma_start3A_183 = tpu.memref_squeeze %dma_start3A_182 : memref<1x1x128xi32, #tpu.memory_space<hbm>> -> memref<128xi32, #tpu.memory_space<hbm>>
        %dma_start3A_184 = arith.constant 0 : i32
        %dma_start3A_185 = tpu.memref_slice %arg8[%dma_start3A_177, %dma_start3A_184] : memref<2x128xi32, #tpu.memory_space<vmem>> -> memref<1x128xi32, #tpu.memory_space<vmem>>
        %dma_start3A_186 = tpu.memref_squeeze %dma_start3A_185 : memref<1x128xi32, #tpu.memory_space<vmem>> -> memref<128xi32, #tpu.memory_space<vmem>>
        %dma_start3A_187 = arith.constant 0 : i32
        %dma_start3A_188 = tpu.memref_slice %arg3[%add3A, %min3A_93, %dma_start3A_187] : memref<32x80x128xi32, #tpu.memory_space<hbm>> -> memref<1x1x128xi32, #tpu.memory_space<hbm>>
        %dma_start3A_189 = tpu.memref_squeeze %dma_start3A_188 : memref<1x1x128xi32, #tpu.memory_space<hbm>> -> memref<128xi32, #tpu.memory_space<hbm>>
        tpu.enqueue_dma source(%dma_start3A_189 : memref<128xi32, #tpu.memory_space<hbm>>) target(%dma_start3A_186 : memref<128xi32, #tpu.memory_space<vmem>>) target_semaphore(%arg15 : memref<!tpu.dma_semaphore, #tpu.memory_space<semaphore_mem>>)
      } else {
      }
      %gt3A = arith.constant 0 : i32
      %gt3A_120 = arith.cmpi sgt, %while3A_85, %gt3A : i32
      %convert_element_type3A_121 = arith.extui %gt3A_120 : i1 to i32
      %cond3A_122 = arith.constant 0 : i32
      %cond3A_123 = arith.cmpi ne, %convert_element_type3A_121, %cond3A_122 : i32
      scf.if %cond3A_123 {
        %dma_wait3A_177 = arith.constant 1 : i32
        %dma_wait3A_178 = arith.constant 0 : i32
        %dma_wait3A_179 = tpu.memref_slice %arg8[%dma_wait3A_177, %dma_wait3A_178] : memref<2x128xi32, #tpu.memory_space<vmem>> -> memref<1x128xi32, #tpu.memory_space<vmem>>
        %dma_wait3A_180 = tpu.memref_squeeze %dma_wait3A_179 : memref<1x128xi32, #tpu.memory_space<vmem>> -> memref<128xi32, #tpu.memory_space<vmem>>
        %dma_wait3A_181 = arith.constant 0 : i32
        %dma_wait3A_182 = tpu.memref_slice %arg3[%add3A, %add3A_90, %dma_wait3A_181] : memref<32x80x128xi32, #tpu.memory_space<hbm>> -> memref<1x1x128xi32, #tpu.memory_space<hbm>>
        %dma_wait3A_183 = tpu.memref_squeeze %dma_wait3A_182 : memref<1x1x128xi32, #tpu.memory_space<hbm>> -> memref<128xi32, #tpu.memory_space<hbm>>
        %dma_wait3A_184 = arith.constant 0 : i32
        %dma_wait3A_185 = tpu.memref_slice %arg8[%dma_wait3A_177, %dma_wait3A_184] : memref<2x128xi32, #tpu.memory_space<vmem>> -> memref<1x128xi32, #tpu.memory_space<vmem>>
        %dma_wait3A_186 = tpu.memref_squeeze %dma_wait3A_185 : memref<1x128xi32, #tpu.memory_space<vmem>> -> memref<128xi32, #tpu.memory_space<vmem>>
        %dma_wait3A_187 = arith.constant 0 : i32
        %dma_wait3A_188 = tpu.memref_slice %arg3[%add3A, %add3A_90, %dma_wait3A_187] : memref<32x80x128xi32, #tpu.memory_space<hbm>> -> memref<1x1x128xi32, #tpu.memory_space<hbm>>
        %dma_wait3A_189 = tpu.memref_squeeze %dma_wait3A_188 : memref<1x1x128xi32, #tpu.memory_space<hbm>> -> memref<128xi32, #tpu.memory_space<hbm>>
        tpu.wait_dma2 semaphore(%arg16 : memref<!tpu.dma_semaphore, #tpu.memory_space<semaphore_mem>>) src(%dma_wait3A_189 : memref<128xi32, #tpu.memory_space<hbm>>) dst(%dma_wait3A_186 : memref<128xi32, #tpu.memory_space<vmem>>)
      } else {
      }
      %dma_start3A_124 = arith.constant 1 : i32
      %dma_start3A_125 = arith.constant 0 : i32
      %dma_start3A_126 = arith.constant 0 : i32
      %dma_start3A_127 = tpu.memref_slice %arg10[%dma_start3A_125, %dma_start3A_126] : memref<128x128xf32, #tpu.memory_space<vmem>> -> memref<64x128xf32, #tpu.memory_space<vmem>>
      %dma_start3A_128 = arith.constant 0 : i32
      %dma_start3A_129 = tpu.memref_slice %arg8[%dma_start3A_124, %dma_start3A_128] : memref<2x128xi32, #tpu.memory_space<vmem>> -> memref<1x64xi32, #tpu.memory_space<vmem>>
      %dma_start3A_130 = tpu.memref_squeeze %dma_start3A_129 : memref<1x64xi32, #tpu.memory_space<vmem>> -> memref<64xi32, #tpu.memory_space<vmem>>
      %dma_start3A_131 = arith.constant 0 : i32
      %dma_start3A_132 = arith.constant 0 : i32
      %dma_start3A_133 = tpu.memref_slice %arg2[%dma_start3A_131, %dma_start3A_132] : memref<10240x128xf32, #tpu.memory_space<hbm>> -> memref<10240x128xf32, #tpu.memory_space<hbm>>
      tpu.enqueue_indirect_dma source(%dma_start3A_133 : memref<10240x128xf32, #tpu.memory_space<hbm>>) target(%dma_start3A_127 : memref<64x128xf32, #tpu.memory_space<vmem>>) offsets(%dma_start3A_130 : memref<64xi32, #tpu.memory_space<vmem>>) semaphore(%arg12 : memref<!tpu.dma_semaphore, #tpu.memory_space<semaphore_mem>>)
      %dma_start3A_134 = arith.constant 1 : i32
      %dma_start3A_135 = arith.constant 64 : i32
      %dma_start3A_136 = arith.constant 0 : i32
      %dma_start3A_137 = tpu.memref_slice %arg10[%dma_start3A_135, %dma_start3A_136] : memref<128x128xf32, #tpu.memory_space<vmem>> -> memref<64x128xf32, #tpu.memory_space<vmem>>
      %dma_start3A_138 = arith.constant 64 : i32
      %dma_start3A_139 = tpu.memref_slice %arg8[%dma_start3A_134, %dma_start3A_138] : memref<2x128xi32, #tpu.memory_space<vmem>> -> memref<1x64xi32, #tpu.memory_space<vmem>>
      %dma_start3A_140 = tpu.memref_squeeze %dma_start3A_139 : memref<1x64xi32, #tpu.memory_space<vmem>> -> memref<64xi32, #tpu.memory_space<vmem>>
      %dma_start3A_141 = arith.constant 0 : i32
      %dma_start3A_142 = arith.constant 0 : i32
      %dma_start3A_143 = tpu.memref_slice %arg2[%dma_start3A_141, %dma_start3A_142] : memref<10240x128xf32, #tpu.memory_space<hbm>> -> memref<10240x128xf32, #tpu.memory_space<hbm>>
      tpu.enqueue_indirect_dma source(%dma_start3A_143 : memref<10240x128xf32, #tpu.memory_space<hbm>>) target(%dma_start3A_137 : memref<64x128xf32, #tpu.memory_space<vmem>>) offsets(%dma_start3A_140 : memref<64xi32, #tpu.memory_space<vmem>>) semaphore(%arg14 : memref<!tpu.dma_semaphore, #tpu.memory_space<semaphore_mem>>)
      %dma_wait3A_144 = arith.constant 1 : i32
      %dma_wait3A_145 = arith.constant 0 : i32
      %dma_wait3A_146 = arith.constant 0 : i32
      %dma_wait3A_147 = tpu.memref_slice %arg10[%dma_wait3A_145, %dma_wait3A_146] : memref<128x128xf32, #tpu.memory_space<vmem>> -> memref<64x128xf32, #tpu.memory_space<vmem>>
      %dma_wait3A_148 = arith.constant 0 : i32
      %dma_wait3A_149 = tpu.memref_slice %arg8[%dma_wait3A_144, %dma_wait3A_148] : memref<2x128xi32, #tpu.memory_space<vmem>> -> memref<1x64xi32, #tpu.memory_space<vmem>>
      %dma_wait3A_150 = tpu.memref_squeeze %dma_wait3A_149 : memref<1x64xi32, #tpu.memory_space<vmem>> -> memref<64xi32, #tpu.memory_space<vmem>>
      %dma_wait3A_151 = arith.constant 0 : i32
      %dma_wait3A_152 = arith.constant 0 : i32
      %dma_wait3A_153 = tpu.memref_slice %arg2[%dma_wait3A_151, %dma_wait3A_152] : memref<10240x128xf32, #tpu.memory_space<hbm>> -> memref<10240x128xf32, #tpu.memory_space<hbm>>
      tpu.wait_indirect_dma semaphore(%arg12 : memref<!tpu.dma_semaphore, #tpu.memory_space<semaphore_mem>>) src(%dma_wait3A_153 : memref<10240x128xf32, #tpu.memory_space<hbm>>) dst(%dma_wait3A_147 : memref<64x128xf32, #tpu.memory_space<vmem>>)
      %dma_wait3A_154 = arith.constant 1 : i32
      %dma_wait3A_155 = arith.constant 64 : i32
      %dma_wait3A_156 = arith.constant 0 : i32
      %dma_wait3A_157 = tpu.memref_slice %arg10[%dma_wait3A_155, %dma_wait3A_156] : memref<128x128xf32, #tpu.memory_space<vmem>> -> memref<64x128xf32, #tpu.memory_space<vmem>>
      %dma_wait3A_158 = arith.constant 64 : i32
      %dma_wait3A_159 = tpu.memref_slice %arg8[%dma_wait3A_154, %dma_wait3A_158] : memref<2x128xi32, #tpu.memory_space<vmem>> -> memref<1x64xi32, #tpu.memory_space<vmem>>
      %dma_wait3A_160 = tpu.memref_squeeze %dma_wait3A_159 : memref<1x64xi32, #tpu.memory_space<vmem>> -> memref<64xi32, #tpu.memory_space<vmem>>
      %dma_wait3A_161 = arith.constant 0 : i32
      %dma_wait3A_162 = arith.constant 0 : i32
      %dma_wait3A_163 = tpu.memref_slice %arg2[%dma_wait3A_161, %dma_wait3A_162] : memref<10240x128xf32, #tpu.memory_space<hbm>> -> memref<10240x128xf32, #tpu.memory_space<hbm>>
      tpu.wait_indirect_dma semaphore(%arg14 : memref<!tpu.dma_semaphore, #tpu.memory_space<semaphore_mem>>) src(%dma_wait3A_163 : memref<10240x128xf32, #tpu.memory_space<hbm>>) dst(%dma_wait3A_157 : memref<64x128xf32, #tpu.memory_space<vmem>>)
      %sub3A_164 = arith.constant 1 : i32
      %sub3A_165 = arith.subi %select_n3A_20, %sub3A_164 : i32
      %lt3A_166 = arith.cmpi slt, %while3A_85, %sub3A_165 : i32
      %convert_element_type3A_167 = arith.extui %lt3A_166 : i1 to i32
      %cond3A_168 = arith.constant 0 : i32
      %cond3A_169 = arith.cmpi ne, %convert_element_type3A_167, %cond3A_168 : i32
      scf.if %cond3A_169 {
        %dma_start3A_177 = arith.constant 1 : i32
        %dma_start3A_178 = arith.constant 0 : i32
        %dma_start3A_179 = tpu.memref_slice %arg8[%dma_start3A_177, %dma_start3A_178] : memref<2x128xi32, #tpu.memory_space<vmem>> -> memref<1x128xi32, #tpu.memory_space<vmem>>
        %dma_start3A_180 = tpu.memref_squeeze %dma_start3A_179 : memref<1x128xi32, #tpu.memory_space<vmem>> -> memref<128xi32, #tpu.memory_space<vmem>>
        %dma_start3A_181 = arith.constant 0 : i32
        %dma_start3A_182 = tpu.memref_slice %arg3[%add3A, %min3A_97, %dma_start3A_181] : memref<32x80x128xi32, #tpu.memory_space<hbm>> -> memref<1x1x128xi32, #tpu.memory_space<hbm>>
        %dma_start3A_183 = tpu.memref_squeeze %dma_start3A_182 : memref<1x1x128xi32, #tpu.memory_space<hbm>> -> memref<128xi32, #tpu.memory_space<hbm>>
        %dma_start3A_184 = arith.constant 0 : i32
        %dma_start3A_185 = tpu.memref_slice %arg8[%dma_start3A_177, %dma_start3A_184] : memref<2x128xi32, #tpu.memory_space<vmem>> -> memref<1x128xi32, #tpu.memory_space<vmem>>
        %dma_start3A_186 = tpu.memref_squeeze %dma_start3A_185 : memref<1x128xi32, #tpu.memory_space<vmem>> -> memref<128xi32, #tpu.memory_space<vmem>>
        %dma_start3A_187 = arith.constant 0 : i32
        %dma_start3A_188 = tpu.memref_slice %arg3[%add3A, %min3A_97, %dma_start3A_187] : memref<32x80x128xi32, #tpu.memory_space<hbm>> -> memref<1x1x128xi32, #tpu.memory_space<hbm>>
        %dma_start3A_189 = tpu.memref_squeeze %dma_start3A_188 : memref<1x1x128xi32, #tpu.memory_space<hbm>> -> memref<128xi32, #tpu.memory_space<hbm>>
        tpu.enqueue_dma source(%dma_start3A_189 : memref<128xi32, #tpu.memory_space<hbm>>) target(%dma_start3A_186 : memref<128xi32, #tpu.memory_space<vmem>>) target_semaphore(%arg16 : memref<!tpu.dma_semaphore, #tpu.memory_space<semaphore_mem>>)
      } else {
      }
      %sub3A_170 = arith.constant 1 : i32
      %sub3A_171 = arith.subi %select_n3A_20, %sub3A_170 : i32
      %lt3A_172 = arith.cmpi slt, %while3A_85, %sub3A_171 : i32
      %convert_element_type3A_173 = arith.extui %lt3A_172 : i1 to i32
      %cond3A_174 = arith.constant 0 : i32
      %cond3A_175 = arith.cmpi ne, %convert_element_type3A_173, %cond3A_174 : i32
      scf.if %cond3A_175 {
        %dma_wait3A_177 = arith.constant 0 : i32
        %dma_wait3A_178 = arith.constant 0 : i32
        %dma_wait3A_179 = tpu.memref_slice %arg8[%dma_wait3A_177, %dma_wait3A_178] : memref<2x128xi32, #tpu.memory_space<vmem>> -> memref<1x128xi32, #tpu.memory_space<vmem>>
        %dma_wait3A_180 = tpu.memref_squeeze %dma_wait3A_179 : memref<1x128xi32, #tpu.memory_space<vmem>> -> memref<128xi32, #tpu.memory_space<vmem>>
        %dma_wait3A_181 = arith.constant 0 : i32
        %dma_wait3A_182 = tpu.memref_slice %arg3[%add3A, %min3A_93, %dma_wait3A_181] : memref<32x80x128xi32, #tpu.memory_space<hbm>> -> memref<1x1x128xi32, #tpu.memory_space<hbm>>
        %dma_wait3A_183 = tpu.memref_squeeze %dma_wait3A_182 : memref<1x1x128xi32, #tpu.memory_space<hbm>> -> memref<128xi32, #tpu.memory_space<hbm>>
        %dma_wait3A_184 = arith.constant 0 : i32
        %dma_wait3A_185 = tpu.memref_slice %arg8[%dma_wait3A_177, %dma_wait3A_184] : memref<2x128xi32, #tpu.memory_space<vmem>> -> memref<1x128xi32, #tpu.memory_space<vmem>>
        %dma_wait3A_186 = tpu.memref_squeeze %dma_wait3A_185 : memref<1x128xi32, #tpu.memory_space<vmem>> -> memref<128xi32, #tpu.memory_space<vmem>>
        %dma_wait3A_187 = arith.constant 0 : i32
        %dma_wait3A_188 = tpu.memref_slice %arg3[%add3A, %min3A_93, %dma_wait3A_187] : memref<32x80x128xi32, #tpu.memory_space<hbm>> -> memref<1x1x128xi32, #tpu.memory_space<hbm>>
        %dma_wait3A_189 = tpu.memref_squeeze %dma_wait3A_188 : memref<1x1x128xi32, #tpu.memory_space<hbm>> -> memref<128xi32, #tpu.memory_space<hbm>>
        tpu.wait_dma2 semaphore(%arg15 : memref<!tpu.dma_semaphore, #tpu.memory_space<semaphore_mem>>) src(%dma_wait3A_189 : memref<128xi32, #tpu.memory_space<hbm>>) dst(%dma_wait3A_186 : memref<128xi32, #tpu.memory_space<vmem>>)
        %dma_start3A_190 = arith.constant 0 : i32
        %dma_start3A_191 = arith.constant 0 : i32
        %dma_start3A_192 = arith.constant 0 : i32
        %dma_start3A_193 = tpu.memref_slice %arg9[%dma_start3A_191, %dma_start3A_192] : memref<128x128xf32, #tpu.memory_space<vmem>> -> memref<64x128xf32, #tpu.memory_space<vmem>>
        %dma_start3A_194 = arith.constant 0 : i32
        %dma_start3A_195 = tpu.memref_slice %arg8[%dma_start3A_190, %dma_start3A_194] : memref<2x128xi32, #tpu.memory_space<vmem>> -> memref<1x64xi32, #tpu.memory_space<vmem>>
        %dma_start3A_196 = tpu.memref_squeeze %dma_start3A_195 : memref<1x64xi32, #tpu.memory_space<vmem>> -> memref<64xi32, #tpu.memory_space<vmem>>
        %dma_start3A_197 = arith.constant 0 : i32
        %dma_start3A_198 = arith.constant 0 : i32
        %dma_start3A_199 = tpu.memref_slice %arg2[%dma_start3A_197, %dma_start3A_198] : memref<10240x128xf32, #tpu.memory_space<hbm>> -> memref<10240x128xf32, #tpu.memory_space<hbm>>
        tpu.enqueue_indirect_dma source(%dma_start3A_199 : memref<10240x128xf32, #tpu.memory_space<hbm>>) target(%dma_start3A_193 : memref<64x128xf32, #tpu.memory_space<vmem>>) offsets(%dma_start3A_196 : memref<64xi32, #tpu.memory_space<vmem>>) semaphore(%arg11 : memref<!tpu.dma_semaphore, #tpu.memory_space<semaphore_mem>>)
        %dma_start3A_200 = arith.constant 0 : i32
        %dma_start3A_201 = arith.constant 64 : i32
        %dma_start3A_202 = arith.constant 0 : i32
        %dma_start3A_203 = tpu.memref_slice %arg9[%dma_start3A_201, %dma_start3A_202] : memref<128x128xf32, #tpu.memory_space<vmem>> -> memref<64x128xf32, #tpu.memory_space<vmem>>
        %dma_start3A_204 = arith.constant 64 : i32
        %dma_start3A_205 = tpu.memref_slice %arg8[%dma_start3A_200, %dma_start3A_204] : memref<2x128xi32, #tpu.memory_space<vmem>> -> memref<1x64xi32, #tpu.memory_space<vmem>>
        %dma_start3A_206 = tpu.memref_squeeze %dma_start3A_205 : memref<1x64xi32, #tpu.memory_space<vmem>> -> memref<64xi32, #tpu.memory_space<vmem>>
        %dma_start3A_207 = arith.constant 0 : i32
        %dma_start3A_208 = arith.constant 0 : i32
        %dma_start3A_209 = tpu.memref_slice %arg2[%dma_start3A_207, %dma_start3A_208] : memref<10240x128xf32, #tpu.memory_space<hbm>> -> memref<10240x128xf32, #tpu.memory_space<hbm>>
        tpu.enqueue_indirect_dma source(%dma_start3A_209 : memref<10240x128xf32, #tpu.memory_space<hbm>>) target(%dma_start3A_203 : memref<64x128xf32, #tpu.memory_space<vmem>>) offsets(%dma_start3A_206 : memref<64xi32, #tpu.memory_space<vmem>>) semaphore(%arg13 : memref<!tpu.dma_semaphore, #tpu.memory_space<semaphore_mem>>)
      } else {
      }
      %while3A_176 = arith.constant 0 : i32
      scf.yield %while3A_176 : i32
    }
    %while3A_78 = arith.constant 1 : i32
    %while3A_79 = scf.for %while3A_85 = %while3A_75 to %while3A_71 step %while3A_78 iter_args(%while3A_86 = %while3A_77) -> (i32)  : i32 {
      %mul3A_87 = arith.constant 2 : i32
      %mul3A_88 = arith.muli %mul3A_87, %while3A_85 : i32
      %add3A_89 = arith.constant 1 : i32
      %add3A_90 = arith.addi %mul3A_88, %add3A_89 : i32
      %add3A_91 = arith.constant 2 : i32
      %add3A_92 = arith.addi %mul3A_88, %add3A_91 : i32
      %min3A = arith.constant 79 : i32
      %min3A_93 = arith.minsi %add3A_92, %min3A : i32
      %add3A_94 = arith.constant 2 : i32
      %add3A_95 = arith.addi %add3A_90, %add3A_94 : i32
      %min3A_96 = arith.constant 79 : i32
      %min3A_97 = arith.minsi %add3A_95, %min3A_96 : i32
      %dma_wait3A = arith.constant 0 : i32
      %dma_wait3A_98 = arith.constant 0 : i32
      %dma_wait3A_99 = arith.constant 0 : i32
      %dma_wait3A_100 = tpu.memref_slice %arg9[%dma_wait3A_98, %dma_wait3A_99] : memref<128x128xf32, #tpu.memory_space<vmem>> -> memref<64x128xf32, #tpu.memory_space<vmem>>
      %dma_wait3A_101 = arith.constant 0 : i32
      %dma_wait3A_102 = tpu.memref_slice %arg8[%dma_wait3A, %dma_wait3A_101] : memref<2x128xi32, #tpu.memory_space<vmem>> -> memref<1x64xi32, #tpu.memory_space<vmem>>
      %dma_wait3A_103 = tpu.memref_squeeze %dma_wait3A_102 : memref<1x64xi32, #tpu.memory_space<vmem>> -> memref<64xi32, #tpu.memory_space<vmem>>
      %dma_wait3A_104 = arith.constant 0 : i32
      %dma_wait3A_105 = arith.constant 0 : i32
      %dma_wait3A_106 = tpu.memref_slice %arg2[%dma_wait3A_104, %dma_wait3A_105] : memref<10240x128xf32, #tpu.memory_space<hbm>> -> memref<10240x128xf32, #tpu.memory_space<hbm>>
      tpu.wait_indirect_dma semaphore(%arg11 : memref<!tpu.dma_semaphore, #tpu.memory_space<semaphore_mem>>) src(%dma_wait3A_106 : memref<10240x128xf32, #tpu.memory_space<hbm>>) dst(%dma_wait3A_100 : memref<64x128xf32, #tpu.memory_space<vmem>>)
      %dma_wait3A_107 = arith.constant 0 : i32
      %dma_wait3A_108 = arith.constant 64 : i32
      %dma_wait3A_109 = arith.constant 0 : i32
      %dma_wait3A_110 = tpu.memref_slice %arg9[%dma_wait3A_108, %dma_wait3A_109] : memref<128x128xf32, #tpu.memory_space<vmem>> -> memref<64x128xf32, #tpu.memory_space<vmem>>
      %dma_wait3A_111 = arith.constant 64 : i32
      %dma_wait3A_112 = tpu.memref_slice %arg8[%dma_wait3A_107, %dma_wait3A_111] : memref<2x128xi32, #tpu.memory_space<vmem>> -> memref<1x64xi32, #tpu.memory_space<vmem>>
      %dma_wait3A_113 = tpu.memref_squeeze %dma_wait3A_112 : memref<1x64xi32, #tpu.memory_space<vmem>> -> memref<64xi32, #tpu.memory_space<vmem>>
      %dma_wait3A_114 = arith.constant 0 : i32
      %dma_wait3A_115 = arith.constant 0 : i32
      %dma_wait3A_116 = tpu.memref_slice %arg2[%dma_wait3A_114, %dma_wait3A_115] : memref<10240x128xf32, #tpu.memory_space<hbm>> -> memref<10240x128xf32, #tpu.memory_space<hbm>>
      tpu.wait_indirect_dma semaphore(%arg13 : memref<!tpu.dma_semaphore, #tpu.memory_space<semaphore_mem>>) src(%dma_wait3A_116 : memref<10240x128xf32, #tpu.memory_space<hbm>>) dst(%dma_wait3A_110 : memref<64x128xf32, #tpu.memory_space<vmem>>)
      %sub3A_117 = arith.constant 1 : i32
      %sub3A_118 = arith.subi %select_n3A_20, %sub3A_117 : i32
      %lt3A = arith.cmpi slt, %while3A_85, %sub3A_118 : i32
      %convert_element_type3A = arith.extui %lt3A : i1 to i32
      %cond3A = arith.constant 0 : i32
      %cond3A_119 = arith.cmpi ne, %convert_element_type3A, %cond3A : i32
      scf.if %cond3A_119 {
        %dma_start3A_177 = arith.constant 0 : i32
        %dma_start3A_178 = arith.constant 0 : i32
        %dma_start3A_179 = tpu.memref_slice %arg8[%dma_start3A_177, %dma_start3A_178] : memref<2x128xi32, #tpu.memory_space<vmem>> -> memref<1x128xi32, #tpu.memory_space<vmem>>
        %dma_start3A_180 = tpu.memref_squeeze %dma_start3A_179 : memref<1x128xi32, #tpu.memory_space<vmem>> -> memref<128xi32, #tpu.memory_space<vmem>>
        %dma_start3A_181 = arith.constant 0 : i32
        %dma_start3A_182 = tpu.memref_slice %arg3[%add3A, %min3A_93, %dma_start3A_181] : memref<32x80x128xi32, #tpu.memory_space<hbm>> -> memref<1x1x128xi32, #tpu.memory_space<hbm>>
        %dma_start3A_183 = tpu.memref_squeeze %dma_start3A_182 : memref<1x1x128xi32, #tpu.memory_space<hbm>> -> memref<128xi32, #tpu.memory_space<hbm>>
        %dma_start3A_184 = arith.constant 0 : i32
        %dma_start3A_185 = tpu.memref_slice %arg8[%dma_start3A_177, %dma_start3A_184] : memref<2x128xi32, #tpu.memory_space<vmem>> -> memref<1x128xi32, #tpu.memory_space<vmem>>
        %dma_start3A_186 = tpu.memref_squeeze %dma_start3A_185 : memref<1x128xi32, #tpu.memory_space<vmem>> -> memref<128xi32, #tpu.memory_space<vmem>>
        %dma_start3A_187 = arith.constant 0 : i32
        %dma_start3A_188 = tpu.memref_slice %arg3[%add3A, %min3A_93, %dma_start3A_187] : memref<32x80x128xi32, #tpu.memory_space<hbm>> -> memref<1x1x128xi32, #tpu.memory_space<hbm>>
        %dma_start3A_189 = tpu.memref_squeeze %dma_start3A_188 : memref<1x1x128xi32, #tpu.memory_space<hbm>> -> memref<128xi32, #tpu.memory_space<hbm>>
        tpu.enqueue_dma source(%dma_start3A_189 : memref<128xi32, #tpu.memory_space<hbm>>) target(%dma_start3A_186 : memref<128xi32, #tpu.memory_space<vmem>>) target_semaphore(%arg15 : memref<!tpu.dma_semaphore, #tpu.memory_space<semaphore_mem>>)
      } else {
      }
      %gt3A = arith.constant 0 : i32
      %gt3A_120 = arith.cmpi sgt, %while3A_85, %gt3A : i32
      %convert_element_type3A_121 = arith.extui %gt3A_120 : i1 to i32
      %cond3A_122 = arith.constant 0 : i32
      %cond3A_123 = arith.cmpi ne, %convert_element_type3A_121, %cond3A_122 : i32
      scf.if %cond3A_123 {
        %dma_wait3A_177 = arith.constant 1 : i32
        %dma_wait3A_178 = arith.constant 0 : i32
        %dma_wait3A_179 = tpu.memref_slice %arg8[%dma_wait3A_177, %dma_wait3A_178] : memref<2x128xi32, #tpu.memory_space<vmem>> -> memref<1x128xi32, #tpu.memory_space<vmem>>
        %dma_wait3A_180 = tpu.memref_squeeze %dma_wait3A_179 : memref<1x128xi32, #tpu.memory_space<vmem>> -> memref<128xi32, #tpu.memory_space<vmem>>
        %dma_wait3A_181 = arith.constant 0 : i32
        %dma_wait3A_182 = tpu.memref_slice %arg3[%add3A, %add3A_90, %dma_wait3A_181] : memref<32x80x128xi32, #tpu.memory_space<hbm>> -> memref<1x1x128xi32, #tpu.memory_space<hbm>>
        %dma_wait3A_183 = tpu.memref_squeeze %dma_wait3A_182 : memref<1x1x128xi32, #tpu.memory_space<hbm>> -> memref<128xi32, #tpu.memory_space<hbm>>
        %dma_wait3A_184 = arith.constant 0 : i32
        %dma_wait3A_185 = tpu.memref_slice %arg8[%dma_wait3A_177, %dma_wait3A_184] : memref<2x128xi32, #tpu.memory_space<vmem>> -> memref<1x128xi32, #tpu.memory_space<vmem>>
        %dma_wait3A_186 = tpu.memref_squeeze %dma_wait3A_185 : memref<1x128xi32, #tpu.memory_space<vmem>> -> memref<128xi32, #tpu.memory_space<vmem>>
        %dma_wait3A_187 = arith.constant 0 : i32
        %dma_wait3A_188 = tpu.memref_slice %arg3[%add3A, %add3A_90, %dma_wait3A_187] : memref<32x80x128xi32, #tpu.memory_space<hbm>> -> memref<1x1x128xi32, #tpu.memory_space<hbm>>
        %dma_wait3A_189 = tpu.memref_squeeze %dma_wait3A_188 : memref<1x1x128xi32, #tpu.memory_space<hbm>> -> memref<128xi32, #tpu.memory_space<hbm>>
        tpu.wait_dma2 semaphore(%arg16 : memref<!tpu.dma_semaphore, #tpu.memory_space<semaphore_mem>>) src(%dma_wait3A_189 : memref<128xi32, #tpu.memory_space<hbm>>) dst(%dma_wait3A_186 : memref<128xi32, #tpu.memory_space<vmem>>)
      } else {
      }
      %dma_start3A_124 = arith.constant 1 : i32
      %dma_start3A_125 = arith.constant 0 : i32
      %dma_start3A_126 = arith.constant 0 : i32
      %dma_start3A_127 = tpu.memref_slice %arg10[%dma_start3A_125, %dma_start3A_126] : memref<128x128xf32, #tpu.memory_space<vmem>> -> memref<64x128xf32, #tpu.memory_space<vmem>>
      %dma_start3A_128 = arith.constant 0 : i32
      %dma_start3A_129 = tpu.memref_slice %arg8[%dma_start3A_124, %dma_start3A_128] : memref<2x128xi32, #tpu.memory_space<vmem>> -> memref<1x64xi32, #tpu.memory_space<vmem>>
      %dma_start3A_130 = tpu.memref_squeeze %dma_start3A_129 : memref<1x64xi32, #tpu.memory_space<vmem>> -> memref<64xi32, #tpu.memory_space<vmem>>
      %dma_start3A_131 = arith.constant 0 : i32
      %dma_start3A_132 = arith.constant 0 : i32
      %dma_start3A_133 = tpu.memref_slice %arg2[%dma_start3A_131, %dma_start3A_132] : memref<10240x128xf32, #tpu.memory_space<hbm>> -> memref<10240x128xf32, #tpu.memory_space<hbm>>
      tpu.enqueue_indirect_dma source(%dma_start3A_133 : memref<10240x128xf32, #tpu.memory_space<hbm>>) target(%dma_start3A_127 : memref<64x128xf32, #tpu.memory_space<vmem>>) offsets(%dma_start3A_130 : memref<64xi32, #tpu.memory_space<vmem>>) semaphore(%arg12 : memref<!tpu.dma_semaphore, #tpu.memory_space<semaphore_mem>>)
      %dma_start3A_134 = arith.constant 1 : i32
      %dma_start3A_135 = arith.constant 64 : i32
      %dma_start3A_136 = arith.constant 0 : i32
      %dma_start3A_137 = tpu.memref_slice %arg10[%dma_start3A_135, %dma_start3A_136] : memref<128x128xf32, #tpu.memory_space<vmem>> -> memref<64x128xf32, #tpu.memory_space<vmem>>
      %dma_start3A_138 = arith.constant 64 : i32
      %dma_start3A_139 = tpu.memref_slice %arg8[%dma_start3A_134, %dma_start3A_138] : memref<2x128xi32, #tpu.memory_space<vmem>> -> memref<1x64xi32, #tpu.memory_space<vmem>>
      %dma_start3A_140 = tpu.memref_squeeze %dma_start3A_139 : memref<1x64xi32, #tpu.memory_space<vmem>> -> memref<64xi32, #tpu.memory_space<vmem>>
      %dma_start3A_141 = arith.constant 0 : i32
      %dma_start3A_142 = arith.constant 0 : i32
      %dma_start3A_143 = tpu.memref_slice %arg2[%dma_start3A_141, %dma_start3A_142] : memref<10240x128xf32, #tpu.memory_space<hbm>> -> memref<10240x128xf32, #tpu.memory_space<hbm>>
      tpu.enqueue_indirect_dma source(%dma_start3A_143 : memref<10240x128xf32, #tpu.memory_space<hbm>>) target(%dma_start3A_137 : memref<64x128xf32, #tpu.memory_space<vmem>>) offsets(%dma_start3A_140 : memref<64xi32, #tpu.memory_space<vmem>>) semaphore(%arg14 : memref<!tpu.dma_semaphore, #tpu.memory_space<semaphore_mem>>)
      %dma_wait3A_144 = arith.constant 1 : i32
      %dma_wait3A_145 = arith.constant 0 : i32
      %dma_wait3A_146 = arith.constant 0 : i32
      %dma_wait3A_147 = tpu.memref_slice %arg10[%dma_wait3A_145, %dma_wait3A_146] : memref<128x128xf32, #tpu.memory_space<vmem>> -> memref<64x128xf32, #tpu.memory_space<vmem>>
      %dma_wait3A_148 = arith.constant 0 : i32
      %dma_wait3A_149 = tpu.memref_slice %arg8[%dma_wait3A_144, %dma_wait3A_148] : memref<2x128xi32, #tpu.memory_space<vmem>> -> memref<1x64xi32, #tpu.memory_space<vmem>>
      %dma_wait3A_150 = tpu.memref_squeeze %dma_wait3A_149 : memref<1x64xi32, #tpu.memory_space<vmem>> -> memref<64xi32, #tpu.memory_space<vmem>>
      %dma_wait3A_151 = arith.constant 0 : i32
      %dma_wait3A_152 = arith.constant 0 : i32
      %dma_wait3A_153 = tpu.memref_slice %arg2[%dma_wait3A_151, %dma_wait3A_152] : memref<10240x128xf32, #tpu.memory_space<hbm>> -> memref<10240x128xf32, #tpu.memory_space<hbm>>
      tpu.wait_indirect_dma semaphore(%arg12 : memref<!tpu.dma_semaphore, #tpu.memory_space<semaphore_mem>>) src(%dma_wait3A_153 : memref<10240x128xf32, #tpu.memory_space<hbm>>) dst(%dma_wait3A_147 : memref<64x128xf32, #tpu.memory_space<vmem>>)
      %dma_wait3A_154 = arith.constant 1 : i32
      %dma_wait3A_155 = arith.constant 64 : i32
      %dma_wait3A_156 = arith.constant 0 : i32
      %dma_wait3A_157 = tpu.memref_slice %arg10[%dma_wait3A_155, %dma_wait3A_156] : memref<128x128xf32, #tpu.memory_space<vmem>> -> memref<64x128xf32, #tpu.memory_space<vmem>>
      %dma_wait3A_158 = arith.constant 64 : i32
      %dma_wait3A_159 = tpu.memref_slice %arg8[%dma_wait3A_154, %dma_wait3A_158] : memref<2x128xi32, #tpu.memory_space<vmem>> -> memref<1x64xi32, #tpu.memory_space<vmem>>
      %dma_wait3A_160 = tpu.memref_squeeze %dma_wait3A_159 : memref<1x64xi32, #tpu.memory_space<vmem>> -> memref<64xi32, #tpu.memory_space<vmem>>
      %dma_wait3A_161 = arith.constant 0 : i32
      %dma_wait3A_162 = arith.constant 0 : i32
      %dma_wait3A_163 = tpu.memref_slice %arg2[%dma_wait3A_161, %dma_wait3A_162] : memref<10240x128xf32, #tpu.memory_space<hbm>> -> memref<10240x128xf32, #tpu.memory_space<hbm>>
      tpu.wait_indirect_dma semaphore(%arg14 : memref<!tpu.dma_semaphore, #tpu.memory_space<semaphore_mem>>) src(%dma_wait3A_163 : memref<10240x128xf32, #tpu.memory_space<hbm>>) dst(%dma_wait3A_157 : memref<64x128xf32, #tpu.memory_space<vmem>>)
      %sub3A_164 = arith.constant 1 : i32
      %sub3A_165 = arith.subi %select_n3A_20, %sub3A_164 : i32
      %lt3A_166 = arith.cmpi slt, %while3A_85, %sub3A_165 : i32
      %convert_element_type3A_167 = arith.extui %lt3A_166 : i1 to i32
      %cond3A_168 = arith.constant 0 : i32
      %cond3A_169 = arith.cmpi ne, %convert_element_type3A_167, %cond3A_168 : i32
      scf.if %cond3A_169 {
        %dma_start3A_177 = arith.constant 1 : i32
        %dma_start3A_178 = arith.constant 0 : i32
        %dma_start3A_179 = tpu.memref_slice %arg8[%dma_start3A_177, %dma_start3A_178] : memref<2x128xi32, #tpu.memory_space<vmem>> -> memref<1x128xi32, #tpu.memory_space<vmem>>
        %dma_start3A_180 = tpu.memref_squeeze %dma_start3A_179 : memref<1x128xi32, #tpu.memory_space<vmem>> -> memref<128xi32, #tpu.memory_space<vmem>>
        %dma_start3A_181 = arith.constant 0 : i32
        %dma_start3A_182 = tpu.memref_slice %arg3[%add3A, %min3A_97, %dma_start3A_181] : memref<32x80x128xi32, #tpu.memory_space<hbm>> -> memref<1x1x128xi32, #tpu.memory_space<hbm>>
        %dma_start3A_183 = tpu.memref_squeeze %dma_start3A_182 : memref<1x1x128xi32, #tpu.memory_space<hbm>> -> memref<128xi32, #tpu.memory_space<hbm>>
        %dma_start3A_184 = arith.constant 0 : i32
        %dma_start3A_185 = tpu.memref_slice %arg8[%dma_start3A_177, %dma_start3A_184] : memref<2x128xi32, #tpu.memory_space<vmem>> -> memref<1x128xi32, #tpu.memory_space<vmem>>
        %dma_start3A_186 = tpu.memref_squeeze %dma_start3A_185 : memref<1x128xi32, #tpu.memory_space<vmem>> -> memref<128xi32, #tpu.memory_space<vmem>>
        %dma_start3A_187 = arith.constant 0 : i32
        %dma_start3A_188 = tpu.memref_slice %arg3[%add3A, %min3A_97, %dma_start3A_187] : memref<32x80x128xi32, #tpu.memory_space<hbm>> -> memref<1x1x128xi32, #tpu.memory_space<hbm>>
        %dma_start3A_189 = tpu.memref_squeeze %dma_start3A_188 : memref<1x1x128xi32, #tpu.memory_space<hbm>> -> memref<128xi32, #tpu.memory_space<hbm>>
        tpu.enqueue_dma source(%dma_start3A_189 : memref<128xi32, #tpu.memory_space<hbm>>) target(%dma_start3A_186 : memref<128xi32, #tpu.memory_space<vmem>>) target_semaphore(%arg16 : memref<!tpu.dma_semaphore, #tpu.memory_space<semaphore_mem>>)
      } else {
      }
      %sub3A_170 = arith.constant 1 : i32
      %sub3A_171 = arith.subi %select_n3A_20, %sub3A_170 : i32
      %lt3A_172 = arith.cmpi slt, %while3A_85, %sub3A_171 : i32
      %convert_element_type3A_173 = arith.extui %lt3A_172 : i1 to i32
      %cond3A_174 = arith.constant 0 : i32
      %cond3A_175 = arith.cmpi ne, %convert_element_type3A_173, %cond3A_174 : i32
      scf.if %cond3A_175 {
        %dma_wait3A_177 = arith.constant 0 : i32
        %dma_wait3A_178 = arith.constant 0 : i32
        %dma_wait3A_179 = tpu.memref_slice %arg8[%dma_wait3A_177, %dma_wait3A_178] : memref<2x128xi32, #tpu.memory_space<vmem>> -> memref<1x128xi32, #tpu.memory_space<vmem>>
        %dma_wait3A_180 = tpu.memref_squeeze %dma_wait3A_179 : memref<1x128xi32, #tpu.memory_space<vmem>> -> memref<128xi32, #tpu.memory_space<vmem>>
        %dma_wait3A_181 = arith.constant 0 : i32
        %dma_wait3A_182 = tpu.memref_slice %arg3[%add3A, %min3A_93, %dma_wait3A_181] : memref<32x80x128xi32, #tpu.memory_space<hbm>> -> memref<1x1x128xi32, #tpu.memory_space<hbm>>
        %dma_wait3A_183 = tpu.memref_squeeze %dma_wait3A_182 : memref<1x1x128xi32, #tpu.memory_space<hbm>> -> memref<128xi32, #tpu.memory_space<hbm>>
        %dma_wait3A_184 = arith.constant 0 : i32
        %dma_wait3A_185 = tpu.memref_slice %arg8[%dma_wait3A_177, %dma_wait3A_184] : memref<2x128xi32, #tpu.memory_space<vmem>> -> memref<1x128xi32, #tpu.memory_space<vmem>>
        %dma_wait3A_186 = tpu.memref_squeeze %dma_wait3A_185 : memref<1x128xi32, #tpu.memory_space<vmem>> -> memref<128xi32, #tpu.memory_space<vmem>>
        %dma_wait3A_187 = arith.constant 0 : i32
        %dma_wait3A_188 = tpu.memref_slice %arg3[%add3A, %min3A_93, %dma_wait3A_187] : memref<32x80x128xi32, #tpu.memory_space<hbm>> -> memref<1x1x128xi32, #tpu.memory_space<hbm>>
        %dma_wait3A_189 = tpu.memref_squeeze %dma_wait3A_188 : memref<1x1x128xi32, #tpu.memory_space<hbm>> -> memref<128xi32, #tpu.memory_space<hbm>>
        tpu.wait_dma2 semaphore(%arg15 : memref<!tpu.dma_semaphore, #tpu.memory_space<semaphore_mem>>) src(%dma_wait3A_189 : memref<128xi32, #tpu.memory_space<hbm>>) dst(%dma_wait3A_186 : memref<128xi32, #tpu.memory_space<vmem>>)
        %dma_start3A_190 = arith.constant 0 : i32
        %dma_start3A_191 = arith.constant 0 : i32
        %dma_start3A_192 = arith.constant 0 : i32
        %dma_start3A_193 = tpu.memref_slice %arg9[%dma_start3A_191, %dma_start3A_192] : memref<128x128xf32, #tpu.memory_space<vmem>> -> memref<64x128xf32, #tpu.memory_space<vmem>>
        %dma_start3A_194 = arith.constant 0 : i32
        %dma_start3A_195 = tpu.memref_slice %arg8[%dma_start3A_190, %dma_start3A_194] : memref<2x128xi32, #tpu.memory_space<vmem>> -> memref<1x64xi32, #tpu.memory_space<vmem>>
        %dma_start3A_196 = tpu.memref_squeeze %dma_start3A_195 : memref<1x64xi32, #tpu.memory_space<vmem>> -> memref<64xi32, #tpu.memory_space<vmem>>
        %dma_start3A_197 = arith.constant 0 : i32
        %dma_start3A_198 = arith.constant 0 : i32
        %dma_start3A_199 = tpu.memref_slice %arg2[%dma_start3A_197, %dma_start3A_198] : memref<10240x128xf32, #tpu.memory_space<hbm>> -> memref<10240x128xf32, #tpu.memory_space<hbm>>
        tpu.enqueue_indirect_dma source(%dma_start3A_199 : memref<10240x128xf32, #tpu.memory_space<hbm>>) target(%dma_start3A_193 : memref<64x128xf32, #tpu.memory_space<vmem>>) offsets(%dma_start3A_196 : memref<64xi32, #tpu.memory_space<vmem>>) semaphore(%arg11 : memref<!tpu.dma_semaphore, #tpu.memory_space<semaphore_mem>>)
        %dma_start3A_200 = arith.constant 0 : i32
        %dma_start3A_201 = arith.constant 64 : i32
        %dma_start3A_202 = arith.constant 0 : i32
        %dma_start3A_203 = tpu.memref_slice %arg9[%dma_start3A_201, %dma_start3A_202] : memref<128x128xf32, #tpu.memory_space<vmem>> -> memref<64x128xf32, #tpu.memory_space<vmem>>
        %dma_start3A_204 = arith.constant 64 : i32
        %dma_start3A_205 = tpu.memref_slice %arg8[%dma_start3A_200, %dma_start3A_204] : memref<2x128xi32, #tpu.memory_space<vmem>> -> memref<1x64xi32, #tpu.memory_space<vmem>>
        %dma_start3A_206 = tpu.memref_squeeze %dma_start3A_205 : memref<1x64xi32, #tpu.memory_space<vmem>> -> memref<64xi32, #tpu.memory_space<vmem>>
        %dma_start3A_207 = arith.constant 0 : i32
        %dma_start3A_208 = arith.constant 0 : i32
        %dma_start3A_209 = tpu.memref_slice %arg2[%dma_start3A_207, %dma_start3A_208] : memref<10240x128xf32, #tpu.memory_space<hbm>> -> memref<10240x128xf32, #tpu.memory_space<hbm>>
        tpu.enqueue_indirect_dma source(%dma_start3A_209 : memref<10240x128xf32, #tpu.memory_space<hbm>>) target(%dma_start3A_203 : memref<64x128xf32, #tpu.memory_space<vmem>>) offsets(%dma_start3A_206 : memref<64xi32, #tpu.memory_space<vmem>>) semaphore(%arg13 : memref<!tpu.dma_semaphore, #tpu.memory_space<semaphore_mem>>)
      } else {
      }
      %while3A_176 = arith.constant 0 : i32
      scf.yield %while3A_176 : i32
    }
    %barrier3A_80 = arith.constant 0 : index
    tpu.barrier barrier_id(%barrier3A_80)
    %mul3A_81 = arith.constant 640 : i32
    %mul3A_82 = arith.muli %arg1, %mul3A_81 : i32
    %mul3A_83 = arith.constant 640 : i32
    %mul3A_84 = arith.muli %arg1, %mul3A_83 : i32
    "tpu.region"() ({
      %run_scoped3A_85 = tpu.sem_alloc : memref<!tpu.dma_semaphore, #tpu.memory_space<semaphore_mem>>
      %dma_start3A_86 = arith.constant 0 : i32
      %dma_start3A_87 = tpu.memref_slice %arg5[%arg0, %mul3A_84, %dma_start3A_86] : memref<2x10240x128xf32, #tpu.memory_space<hbm>> -> memref<1x640x128xf32, #tpu.memory_space<hbm>>
      %dma_start3A_88 = tpu.memref_squeeze %dma_start3A_87 : memref<1x640x128xf32, #tpu.memory_space<hbm>> -> memref<640x128xf32, #tpu.memory_space<hbm>>
      %dma_start3A_89 = arith.constant 0 : i32
      %dma_start3A_90 = tpu.memref_slice %arg6[%mul3A_82, %dma_start3A_89] : memref<10240x128xf32, #tpu.memory_space<vmem_shared>> -> memref<640x128xf32, #tpu.memory_space<vmem_shared>>
      tpu.enqueue_dma source(%dma_start3A_90 : memref<640x128xf32, #tpu.memory_space<vmem_shared>>) target(%dma_start3A_88 : memref<640x128xf32, #tpu.memory_space<hbm>>) target_semaphore(%run_scoped3A_85 : memref<!tpu.dma_semaphore, #tpu.memory_space<semaphore_mem>>)
      %dma_wait3A = arith.constant 0 : i32
      %dma_wait3A_91 = tpu.memref_slice %arg5[%arg0, %mul3A_84, %dma_wait3A] : memref<2x10240x128xf32, #tpu.memory_space<hbm>> -> memref<1x640x128xf32, #tpu.memory_space<hbm>>
      %dma_wait3A_92 = tpu.memref_squeeze %dma_wait3A_91 : memref<1x640x128xf32, #tpu.memory_space<hbm>> -> memref<640x128xf32, #tpu.memory_space<hbm>>
      %dma_wait3A_93 = arith.constant 0 : i32
      %dma_wait3A_94 = tpu.memref_slice %arg6[%mul3A_82, %dma_wait3A_93] : memref<10240x128xf32, #tpu.memory_space<vmem_shared>> -> memref<640x128xf32, #tpu.memory_space<vmem_shared>>
      tpu.wait_dma2 semaphore(%run_scoped3A_85 : memref<!tpu.dma_semaphore, #tpu.memory_space<semaphore_mem>>) src(%dma_wait3A_94 : memref<640x128xf32, #tpu.memory_space<vmem_shared>>) dst(%dma_wait3A_92 : memref<640x128xf32, #tpu.memory_space<hbm>>)
      tpu.yield
    }) : () -> ()
    return
  }
}

#map = affine_map<(d0, d1) -> (0, 0, 0)>
module attributes {stable_mosaic.version = 14 : i64} {
  func.func @_deg_pass(%arg0: i32, %arg1: i32, %arg2: memref<32x80x128xi32, #tpu.memory_space<hbm>>, %arg3: memref<2x10240x16xf32, #tpu.memory_space<hbm>>, %arg4: memref<10240x16xf32, #tpu.memory_space<vmem_shared>>, %arg5: memref<80x128xi32, #tpu.memory_space<vmem>>, %arg6: memref<128x16xf32, #tpu.memory_space<vmem>>, %arg7: memref<128x16xf32, #tpu.memory_space<vmem>>) attributes {dimension_semantics = [#tpu.dimension_semantics<core_parallel>, #tpu.dimension_semantics<subcore_parallel>], iteration_bounds = array<i64: 2, 16>, scalar_prefetch = 0 : i64, scratch_operands = 4 : i64, tpu.core_type = #tpu.core_type<sc_vector_subcore>, window_params = [{transform_indices = #map}, {transform_indices = #map}]} {
    %mul3A = arith.constant 16 : i32
    %mul3A_0 = arith.muli %arg0, %mul3A : i32
    %add3A = arith.addi %mul3A_0, %arg1 : i32
    %scan3A = arith.constant 0 : i32
    %scan3A_1 = arith.constant 0 : i32
    %scan3A_2 = arith.constant 128 : i32
    %scan3A_3 = arith.addi %scan3A_1, %scan3A_2 : i32
    %scan3A_4 = arith.constant 1 : i32
    %scan3A_5 = scf.for %scan3A_45 = %scan3A_1 to %scan3A_3 step %scan3A_4 iter_args(%scan3A_46 = %scan3A) -> (i32)  : i32 {
      %broadcast_in_dim3A = arith.constant 1.000000e+00 : f32
      %broadcast_in_dim3A_47 = vector.broadcast %broadcast_in_dim3A : f32 to vector<16xf32>
      %swap3A = arith.index_cast %scan3A_45 : i32 to index
      %swap3A_48 = arith.constant 0 : index
      %swap3A_49 = tpu.vector_load %arg6[%swap3A, %swap3A_48] {strides = array<i32>} : memref<128x16xf32, #tpu.memory_space<vmem>>, vector<1x16xf32>,
      %swap3A_50 = vector.shape_cast %swap3A_49 : vector<1x16xf32> to vector<16xf32>
      %swap3A_51 = vector.shape_cast %broadcast_in_dim3A_47 : vector<16xf32> to vector<1x16xf32>
      tpu.vector_store %arg6[%swap3A, %swap3A_48], %swap3A_51 {strides = array<i32>} : memref<128x16xf32, #tpu.memory_space<vmem>>, vector<1x16xf32>,
      %broadcast_in_dim3A_52 = arith.constant 0.000000e+00 : f32
      %broadcast_in_dim3A_53 = vector.broadcast %broadcast_in_dim3A_52 : f32 to vector<16xf32>
      %swap3A_54 = arith.index_cast %scan3A_45 : i32 to index
      %swap3A_55 = arith.constant 0 : index
      %swap3A_56 = tpu.vector_load %arg7[%swap3A_54, %swap3A_55] {strides = array<i32>} : memref<128x16xf32, #tpu.memory_space<vmem>>, vector<1x16xf32>,
      %swap3A_57 = vector.shape_cast %swap3A_56 : vector<1x16xf32> to vector<16xf32>
      %swap3A_58 = vector.shape_cast %broadcast_in_dim3A_53 : vector<16xf32> to vector<1x16xf32>
      tpu.vector_store %arg7[%swap3A_54, %swap3A_55], %swap3A_58 {strides = array<i32>} : memref<128x16xf32, #tpu.memory_space<vmem>>, vector<1x16xf32>,
      %scan3A_59 = arith.constant 0 : i32
      scf.yield %scan3A_59 : i32
    }
    %scan3A_6 = arith.constant 128 : i32
    %mul3A_7 = arith.constant 640 : i32
    %mul3A_8 = arith.muli %arg1, %mul3A_7 : i32
    %add3A_9 = arith.constant 0 : i32
    %add3A_10 = arith.addi %mul3A_8, %add3A_9 : i32
    "tpu.region"() ({
      %run_scoped3A = tpu.sem_alloc : memref<!tpu.dma_semaphore, #tpu.memory_space<semaphore_mem>>
      %dma_start3A = arith.constant 0 : i32
      %dma_start3A_45 = tpu.memref_slice %arg4[%add3A_10, %dma_start3A] : memref<10240x16xf32, #tpu.memory_space<vmem_shared>> -> memref<128x16xf32, #tpu.memory_space<vmem_shared>>
      %dma_start3A_46 = arith.constant 0 : i32
      %dma_start3A_47 = tpu.memref_slice %arg4[%add3A_10, %dma_start3A_46] : memref<10240x16xf32, #tpu.memory_space<vmem_shared>> -> memref<128x16xf32, #tpu.memory_space<vmem_shared>>
      tpu.enqueue_dma source(%arg7 : memref<128x16xf32, #tpu.memory_space<vmem>>) target(%dma_start3A_47 : memref<128x16xf32, #tpu.memory_space<vmem_shared>>) target_semaphore(%run_scoped3A : memref<!tpu.dma_semaphore, #tpu.memory_space<semaphore_mem>>)
      %dma_wait3A = arith.constant 0 : i32
      %dma_wait3A_48 = tpu.memref_slice %arg4[%add3A_10, %dma_wait3A] : memref<10240x16xf32, #tpu.memory_space<vmem_shared>> -> memref<128x16xf32, #tpu.memory_space<vmem_shared>>
      %dma_wait3A_49 = arith.constant 0 : i32
      %dma_wait3A_50 = tpu.memref_slice %arg4[%add3A_10, %dma_wait3A_49] : memref<10240x16xf32, #tpu.memory_space<vmem_shared>> -> memref<128x16xf32, #tpu.memory_space<vmem_shared>>
      tpu.wait_dma2 semaphore(%run_scoped3A : memref<!tpu.dma_semaphore, #tpu.memory_space<semaphore_mem>>) src(%arg7 : memref<128x16xf32, #tpu.memory_space<vmem>>) dst(%dma_wait3A_50 : memref<128x16xf32, #tpu.memory_space<vmem_shared>>)
      tpu.yield
    }) : () -> ()
    %mul3A_11 = arith.constant 640 : i32
    %mul3A_12 = arith.muli %arg1, %mul3A_11 : i32
    %add3A_13 = arith.constant 128 : i32
    %add3A_14 = arith.addi %mul3A_12, %add3A_13 : i32
    "tpu.region"() ({
      %run_scoped3A = tpu.sem_alloc : memref<!tpu.dma_semaphore, #tpu.memory_space<semaphore_mem>>
      %dma_start3A = arith.constant 0 : i32
      %dma_start3A_45 = tpu.memref_slice %arg4[%add3A_14, %dma_start3A] : memref<10240x16xf32, #tpu.memory_space<vmem_shared>> -> memref<128x16xf32, #tpu.memory_space<vmem_shared>>
      %dma_start3A_46 = arith.constant 0 : i32
      %dma_start3A_47 = tpu.memref_slice %arg4[%add3A_14, %dma_start3A_46] : memref<10240x16xf32, #tpu.memory_space<vmem_shared>> -> memref<128x16xf32, #tpu.memory_space<vmem_shared>>
      tpu.enqueue_dma source(%arg7 : memref<128x16xf32, #tpu.memory_space<vmem>>) target(%dma_start3A_47 : memref<128x16xf32, #tpu.memory_space<vmem_shared>>) target_semaphore(%run_scoped3A : memref<!tpu.dma_semaphore, #tpu.memory_space<semaphore_mem>>)
      %dma_wait3A = arith.constant 0 : i32
      %dma_wait3A_48 = tpu.memref_slice %arg4[%add3A_14, %dma_wait3A] : memref<10240x16xf32, #tpu.memory_space<vmem_shared>> -> memref<128x16xf32, #tpu.memory_space<vmem_shared>>
      %dma_wait3A_49 = arith.constant 0 : i32
      %dma_wait3A_50 = tpu.memref_slice %arg4[%add3A_14, %dma_wait3A_49] : memref<10240x16xf32, #tpu.memory_space<vmem_shared>> -> memref<128x16xf32, #tpu.memory_space<vmem_shared>>
      tpu.wait_dma2 semaphore(%run_scoped3A : memref<!tpu.dma_semaphore, #tpu.memory_space<semaphore_mem>>) src(%arg7 : memref<128x16xf32, #tpu.memory_space<vmem>>) dst(%dma_wait3A_50 : memref<128x16xf32, #tpu.memory_space<vmem_shared>>)
      tpu.yield
    }) : () -> ()
    %mul3A_15 = arith.constant 640 : i32
    %mul3A_16 = arith.muli %arg1, %mul3A_15 : i32
    %add3A_17 = arith.constant 256 : i32
    %add3A_18 = arith.addi %mul3A_16, %add3A_17 : i32
    "tpu.region"() ({
      %run_scoped3A = tpu.sem_alloc : memref<!tpu.dma_semaphore, #tpu.memory_space<semaphore_mem>>
      %dma_start3A = arith.constant 0 : i32
      %dma_start3A_45 = tpu.memref_slice %arg4[%add3A_18, %dma_start3A] : memref<10240x16xf32, #tpu.memory_space<vmem_shared>> -> memref<128x16xf32, #tpu.memory_space<vmem_shared>>
      %dma_start3A_46 = arith.constant 0 : i32
      %dma_start3A_47 = tpu.memref_slice %arg4[%add3A_18, %dma_start3A_46] : memref<10240x16xf32, #tpu.memory_space<vmem_shared>> -> memref<128x16xf32, #tpu.memory_space<vmem_shared>>
      tpu.enqueue_dma source(%arg7 : memref<128x16xf32, #tpu.memory_space<vmem>>) target(%dma_start3A_47 : memref<128x16xf32, #tpu.memory_space<vmem_shared>>) target_semaphore(%run_scoped3A : memref<!tpu.dma_semaphore, #tpu.memory_space<semaphore_mem>>)
      %dma_wait3A = arith.constant 0 : i32
      %dma_wait3A_48 = tpu.memref_slice %arg4[%add3A_18, %dma_wait3A] : memref<10240x16xf32, #tpu.memory_space<vmem_shared>> -> memref<128x16xf32, #tpu.memory_space<vmem_shared>>
      %dma_wait3A_49 = arith.constant 0 : i32
      %dma_wait3A_50 = tpu.memref_slice %arg4[%add3A_18, %dma_wait3A_49] : memref<10240x16xf32, #tpu.memory_space<vmem_shared>> -> memref<128x16xf32, #tpu.memory_space<vmem_shared>>
      tpu.wait_dma2 semaphore(%run_scoped3A : memref<!tpu.dma_semaphore, #tpu.memory_space<semaphore_mem>>) src(%arg7 : memref<128x16xf32, #tpu.memory_space<vmem>>) dst(%dma_wait3A_50 : memref<128x16xf32, #tpu.memory_space<vmem_shared>>)
      tpu.yield
    }) : () -> ()
    %mul3A_19 = arith.constant 640 : i32
    %mul3A_20 = arith.muli %arg1, %mul3A_19 : i32
    %add3A_21 = arith.constant 384 : i32
    %add3A_22 = arith.addi %mul3A_20, %add3A_21 : i32
    "tpu.region"() ({
      %run_scoped3A = tpu.sem_alloc : memref<!tpu.dma_semaphore, #tpu.memory_space<semaphore_mem>>
      %dma_start3A = arith.constant 0 : i32
      %dma_start3A_45 = tpu.memref_slice %arg4[%add3A_22, %dma_start3A] : memref<10240x16xf32, #tpu.memory_space<vmem_shared>> -> memref<128x16xf32, #tpu.memory_space<vmem_shared>>
      %dma_start3A_46 = arith.constant 0 : i32
      %dma_start3A_47 = tpu.memref_slice %arg4[%add3A_22, %dma_start3A_46] : memref<10240x16xf32, #tpu.memory_space<vmem_shared>> -> memref<128x16xf32, #tpu.memory_space<vmem_shared>>
      tpu.enqueue_dma source(%arg7 : memref<128x16xf32, #tpu.memory_space<vmem>>) target(%dma_start3A_47 : memref<128x16xf32, #tpu.memory_space<vmem_shared>>) target_semaphore(%run_scoped3A : memref<!tpu.dma_semaphore, #tpu.memory_space<semaphore_mem>>)
      %dma_wait3A = arith.constant 0 : i32
      %dma_wait3A_48 = tpu.memref_slice %arg4[%add3A_22, %dma_wait3A] : memref<10240x16xf32, #tpu.memory_space<vmem_shared>> -> memref<128x16xf32, #tpu.memory_space<vmem_shared>>
      %dma_wait3A_49 = arith.constant 0 : i32
      %dma_wait3A_50 = tpu.memref_slice %arg4[%add3A_22, %dma_wait3A_49] : memref<10240x16xf32, #tpu.memory_space<vmem_shared>> -> memref<128x16xf32, #tpu.memory_space<vmem_shared>>
      tpu.wait_dma2 semaphore(%run_scoped3A : memref<!tpu.dma_semaphore, #tpu.memory_space<semaphore_mem>>) src(%arg7 : memref<128x16xf32, #tpu.memory_space<vmem>>) dst(%dma_wait3A_50 : memref<128x16xf32, #tpu.memory_space<vmem_shared>>)
      tpu.yield
    }) : () -> ()
    %mul3A_23 = arith.constant 640 : i32
    %mul3A_24 = arith.muli %arg1, %mul3A_23 : i32
    %add3A_25 = arith.constant 512 : i32
    %add3A_26 = arith.addi %mul3A_24, %add3A_25 : i32
    "tpu.region"() ({
      %run_scoped3A = tpu.sem_alloc : memref<!tpu.dma_semaphore, #tpu.memory_space<semaphore_mem>>
      %dma_start3A = arith.constant 0 : i32
      %dma_start3A_45 = tpu.memref_slice %arg4[%add3A_26, %dma_start3A] : memref<10240x16xf32, #tpu.memory_space<vmem_shared>> -> memref<128x16xf32, #tpu.memory_space<vmem_shared>>
      %dma_start3A_46 = arith.constant 0 : i32
      %dma_start3A_47 = tpu.memref_slice %arg4[%add3A_26, %dma_start3A_46] : memref<10240x16xf32, #tpu.memory_space<vmem_shared>> -> memref<128x16xf32, #tpu.memory_space<vmem_shared>>
      tpu.enqueue_dma source(%arg7 : memref<128x16xf32, #tpu.memory_space<vmem>>) target(%dma_start3A_47 : memref<128x16xf32, #tpu.memory_space<vmem_shared>>) target_semaphore(%run_scoped3A : memref<!tpu.dma_semaphore, #tpu.memory_space<semaphore_mem>>)
      %dma_wait3A = arith.constant 0 : i32
      %dma_wait3A_48 = tpu.memref_slice %arg4[%add3A_26, %dma_wait3A] : memref<10240x16xf32, #tpu.memory_space<vmem_shared>> -> memref<128x16xf32, #tpu.memory_space<vmem_shared>>
      %dma_wait3A_49 = arith.constant 0 : i32
      %dma_wait3A_50 = tpu.memref_slice %arg4[%add3A_26, %dma_wait3A_49] : memref<10240x16xf32, #tpu.memory_space<vmem_shared>> -> memref<128x16xf32, #tpu.memory_space<vmem_shared>>
      tpu.wait_dma2 semaphore(%run_scoped3A : memref<!tpu.dma_semaphore, #tpu.memory_space<semaphore_mem>>) src(%arg7 : memref<128x16xf32, #tpu.memory_space<vmem>>) dst(%dma_wait3A_50 : memref<128x16xf32, #tpu.memory_space<vmem_shared>>)
      tpu.yield
    }) : () -> ()
    %barrier3A = arith.constant 0 : index
    tpu.barrier barrier_id(%barrier3A)
    "tpu.region"() ({
      %run_scoped3A = tpu.sem_alloc : memref<!tpu.dma_semaphore, #tpu.memory_space<semaphore_mem>>
      %dma_start3A = arith.constant 0 : i32
      %dma_start3A_45 = arith.constant 0 : i32
      %dma_start3A_46 = tpu.memref_slice %arg2[%add3A, %dma_start3A, %dma_start3A_45] : memref<32x80x128xi32, #tpu.memory_space<hbm>> -> memref<1x80x128xi32, #tpu.memory_space<hbm>>
      %dma_start3A_47 = tpu.memref_squeeze %dma_start3A_46 : memref<1x80x128xi32, #tpu.memory_space<hbm>> -> memref<80x128xi32, #tpu.memory_space<hbm>>
      %dma_start3A_48 = arith.constant 0 : i32
      %dma_start3A_49 = arith.constant 0 : i32
      %dma_start3A_50 = tpu.memref_slice %arg2[%add3A, %dma_start3A_48, %dma_start3A_49] : memref<32x80x128xi32, #tpu.memory_space<hbm>> -> memref<1x80x128xi32, #tpu.memory_space<hbm>>
      %dma_start3A_51 = tpu.memref_squeeze %dma_start3A_50 : memref<1x80x128xi32, #tpu.memory_space<hbm>> -> memref<80x128xi32, #tpu.memory_space<hbm>>
      tpu.enqueue_dma source(%dma_start3A_51 : memref<80x128xi32, #tpu.memory_space<hbm>>) target(%arg5 : memref<80x128xi32, #tpu.memory_space<vmem>>) target_semaphore(%run_scoped3A : memref<!tpu.dma_semaphore, #tpu.memory_space<semaphore_mem>>)
      %dma_wait3A = arith.constant 0 : i32
      %dma_wait3A_52 = arith.constant 0 : i32
      %dma_wait3A_53 = tpu.memref_slice %arg2[%add3A, %dma_wait3A, %dma_wait3A_52] : memref<32x80x128xi32, #tpu.memory_space<hbm>> -> memref<1x80x128xi32, #tpu.memory_space<hbm>>
      %dma_wait3A_54 = tpu.memref_squeeze %dma_wait3A_53 : memref<1x80x128xi32, #tpu.memory_space<hbm>> -> memref<80x128xi32, #tpu.memory_space<hbm>>
      %dma_wait3A_55 = arith.constant 0 : i32
      %dma_wait3A_56 = arith.constant 0 : i32
      %dma_wait3A_57 = tpu.memref_slice %arg2[%add3A, %dma_wait3A_55, %dma_wait3A_56] : memref<32x80x128xi32, #tpu.memory_space<hbm>> -> memref<1x80x128xi32, #tpu.memory_space<hbm>>
      %dma_wait3A_58 = tpu.memref_squeeze %dma_wait3A_57 : memref<1x80x128xi32, #tpu.memory_space<hbm>> -> memref<80x128xi32, #tpu.memory_space<hbm>>
      tpu.wait_dma2 semaphore(%run_scoped3A : memref<!tpu.dma_semaphore, #tpu.memory_space<semaphore_mem>>) src(%dma_wait3A_58 : memref<80x128xi32, #tpu.memory_space<hbm>>) dst(%arg5 : memref<80x128xi32, #tpu.memory_space<vmem>>)
      tpu.yield
    }) : () -> ()
    %eq3A = arith.constant 31 : i32
    %eq3A_27 = arith.cmpi eq, %add3A, %eq3A : i32
    %jit3A = arith.constant 20 : i32
    %jit3A_28 = arith.constant 80 : i32
    %select_n3A = arith.select %eq3A_27, %jit3A, %jit3A_28 : i32
    %while3A = arith.constant 0 : i32
    %while3A_29 = arith.constant 0 : i32
    %while3A_30 = arith.subi %select_n3A, %while3A : i32
    %while3A_31 = arith.addi %while3A, %while3A_30 : i32
    %while3A_32 = arith.constant 1 : i32
    %while3A_33 = arith.divsi %while3A_30, %while3A_32 : i32
    %while3A_34 = arith.muli %while3A_33, %while3A_32 : i32
    %while3A_35 = arith.addi %while3A, %while3A_34 : i32
    %while3A_36 = arith.constant 1 : i32
    %while3A_37 = scf.for %while3A_45 = %while3A to %while3A_35 step %while3A_36 iter_args(%while3A_46 = %while3A_29) -> (i32)  : i32 {
      "tpu.region"() ({
        %run_scoped3A = tpu.sem_alloc : memref<!tpu.dma_semaphore, #tpu.memory_space<semaphore_mem>>
        %dma_start3A = arith.constant 0 : i32
        %dma_start3A_48 = tpu.memref_slice %arg5[%while3A_45, %dma_start3A] : memref<80x128xi32, #tpu.memory_space<vmem>> -> memref<1x128xi32, #tpu.memory_space<vmem>>
        %dma_start3A_49 = tpu.memref_squeeze %dma_start3A_48 : memref<1x128xi32, #tpu.memory_space<vmem>> -> memref<128xi32, #tpu.memory_space<vmem>>
        %dma_start3A_50 = arith.constant 0 : i32
        %dma_start3A_51 = arith.constant 0 : i32
        %dma_start3A_52 = tpu.memref_slice %arg4[%dma_start3A_50, %dma_start3A_51] : memref<10240x16xf32, #tpu.memory_space<vmem_shared>> -> memref<10240x16xf32, #tpu.memory_space<vmem_shared>>
        tpu.enqueue_indirect_dma source(%arg6 : memref<128x16xf32, #tpu.memory_space<vmem>>) target(%dma_start3A_52 : memref<10240x16xf32, #tpu.memory_space<vmem_shared>>) offsets(%dma_start3A_49 : memref<128xi32, #tpu.memory_space<vmem>>) semaphore(%run_scoped3A : memref<!tpu.dma_semaphore, #tpu.memory_space<semaphore_mem>>) {add = true}
        %dma_wait3A = arith.constant 0 : i32
        %dma_wait3A_53 = tpu.memref_slice %arg5[%while3A_45, %dma_wait3A] : memref<80x128xi32, #tpu.memory_space<vmem>> -> memref<1x128xi32, #tpu.memory_space<vmem>>
        %dma_wait3A_54 = tpu.memref_squeeze %dma_wait3A_53 : memref<1x128xi32, #tpu.memory_space<vmem>> -> memref<128xi32, #tpu.memory_space<vmem>>
        %dma_wait3A_55 = arith.constant 0 : i32
        %dma_wait3A_56 = arith.constant 0 : i32
        %dma_wait3A_57 = tpu.memref_slice %arg4[%dma_wait3A_55, %dma_wait3A_56] : memref<10240x16xf32, #tpu.memory_space<vmem_shared>> -> memref<10240x16xf32, #tpu.memory_space<vmem_shared>>
        tpu.wait_indirect_dma semaphore(%run_scoped3A : memref<!tpu.dma_semaphore, #tpu.memory_space<semaphore_mem>>) src(%arg6 : memref<128x16xf32, #tpu.memory_space<vmem>>) dst(%dma_wait3A_57 : memref<10240x16xf32, #tpu.memory_space<vmem_shared>>)
        tpu.yield
      }) : () -> ()
      %while3A_47 = arith.constant 0 : i32
      scf.yield %while3A_47 : i32
    }
    %while3A_38 = arith.constant 1 : i32
    %while3A_39 = scf.for %while3A_45 = %while3A_35 to %while3A_31 step %while3A_38 iter_args(%while3A_46 = %while3A_37) -> (i32)  : i32 {
      "tpu.region"() ({
        %run_scoped3A = tpu.sem_alloc : memref<!tpu.dma_semaphore, #tpu.memory_space<semaphore_mem>>
        %dma_start3A = arith.constant 0 : i32
        %dma_start3A_48 = tpu.memref_slice %arg5[%while3A_45, %dma_start3A] : memref<80x128xi32, #tpu.memory_space<vmem>> -> memref<1x128xi32, #tpu.memory_space<vmem>>
        %dma_start3A_49 = tpu.memref_squeeze %dma_start3A_48 : memref<1x128xi32, #tpu.memory_space<vmem>> -> memref<128xi32, #tpu.memory_space<vmem>>
        %dma_start3A_50 = arith.constant 0 : i32
        %dma_start3A_51 = arith.constant 0 : i32
        %dma_start3A_52 = tpu.memref_slice %arg4[%dma_start3A_50, %dma_start3A_51] : memref<10240x16xf32, #tpu.memory_space<vmem_shared>> -> memref<10240x16xf32, #tpu.memory_space<vmem_shared>>
        tpu.enqueue_indirect_dma source(%arg6 : memref<128x16xf32, #tpu.memory_space<vmem>>) target(%dma_start3A_52 : memref<10240x16xf32, #tpu.memory_space<vmem_shared>>) offsets(%dma_start3A_49 : memref<128xi32, #tpu.memory_space<vmem>>) semaphore(%run_scoped3A : memref<!tpu.dma_semaphore, #tpu.memory_space<semaphore_mem>>) {add = true}
        %dma_wait3A = arith.constant 0 : i32
        %dma_wait3A_53 = tpu.memref_slice %arg5[%while3A_45, %dma_wait3A] : memref<80x128xi32, #tpu.memory_space<vmem>> -> memref<1x128xi32, #tpu.memory_space<vmem>>
        %dma_wait3A_54 = tpu.memref_squeeze %dma_wait3A_53 : memref<1x128xi32, #tpu.memory_space<vmem>> -> memref<128xi32, #tpu.memory_space<vmem>>
        %dma_wait3A_55 = arith.constant 0 : i32
        %dma_wait3A_56 = arith.constant 0 : i32
        %dma_wait3A_57 = tpu.memref_slice %arg4[%dma_wait3A_55, %dma_wait3A_56] : memref<10240x16xf32, #tpu.memory_space<vmem_shared>> -> memref<10240x16xf32, #tpu.memory_space<vmem_shared>>
        tpu.wait_indirect_dma semaphore(%run_scoped3A : memref<!tpu.dma_semaphore, #tpu.memory_space<semaphore_mem>>) src(%arg6 : memref<128x16xf32, #tpu.memory_space<vmem>>) dst(%dma_wait3A_57 : memref<10240x16xf32, #tpu.memory_space<vmem_shared>>)
        tpu.yield
      }) : () -> ()
      %while3A_47 = arith.constant 0 : i32
      scf.yield %while3A_47 : i32
    }
    %barrier3A_40 = arith.constant 0 : index
    tpu.barrier barrier_id(%barrier3A_40)
    %mul3A_41 = arith.constant 640 : i32
    %mul3A_42 = arith.muli %arg1, %mul3A_41 : i32
    %mul3A_43 = arith.constant 640 : i32
    %mul3A_44 = arith.muli %arg1, %mul3A_43 : i32
    "tpu.region"() ({
      %run_scoped3A = tpu.sem_alloc : memref<!tpu.dma_semaphore, #tpu.memory_space<semaphore_mem>>
      %dma_start3A = arith.constant 0 : i32
      %dma_start3A_45 = tpu.memref_slice %arg3[%arg0, %mul3A_44, %dma_start3A] : memref<2x10240x16xf32, #tpu.memory_space<hbm>> -> memref<1x640x16xf32, #tpu.memory_space<hbm>>
      %dma_start3A_46 = tpu.memref_squeeze %dma_start3A_45 : memref<1x640x16xf32, #tpu.memory_space<hbm>> -> memref<640x16xf32, #tpu.memory_space<hbm>>
      %dma_start3A_47 = arith.constant 0 : i32
      %dma_start3A_48 = tpu.memref_slice %arg4[%mul3A_42, %dma_start3A_47] : memref<10240x16xf32, #tpu.memory_space<vmem_shared>> -> memref<640x16xf32, #tpu.memory_space<vmem_shared>>
      tpu.enqueue_dma source(%dma_start3A_48 : memref<640x16xf32, #tpu.memory_space<vmem_shared>>) target(%dma_start3A_46 : memref<640x16xf32, #tpu.memory_space<hbm>>) target_semaphore(%run_scoped3A : memref<!tpu.dma_semaphore, #tpu.memory_space<semaphore_mem>>)
      %dma_wait3A = arith.constant 0 : i32
      %dma_wait3A_49 = tpu.memref_slice %arg3[%arg0, %mul3A_44, %dma_wait3A] : memref<2x10240x16xf32, #tpu.memory_space<hbm>> -> memref<1x640x16xf32, #tpu.memory_space<hbm>>
      %dma_wait3A_50 = tpu.memref_squeeze %dma_wait3A_49 : memref<1x640x16xf32, #tpu.memory_space<hbm>> -> memref<640x16xf32, #tpu.memory_space<hbm>>
      %dma_wait3A_51 = arith.constant 0 : i32
      %dma_wait3A_52 = tpu.memref_slice %arg4[%mul3A_42, %dma_wait3A_51] : memref<10240x16xf32, #tpu.memory_space<vmem_shared>> -> memref<640x16xf32, #tpu.memory_space<vmem_shared>>
      tpu.wait_dma2 semaphore(%run_scoped3A : memref<!tpu.dma_semaphore, #tpu.memory_space<semaphore_mem>>) src(%dma_wait3A_52 : memref<640x16xf32, #tpu.memory_space<vmem_shared>>) dst(%dma_wait3A_50 : memref<640x16xf32, #tpu.memory_space<hbm>>)
      tpu.yield
    }) : () -> ()
    return
  }
}

module attributes {stable_mosaic.version = 14 : i64} {
  func.func @_mm_body(%arg0: i32, %arg1: memref<512x128xf32, #tpu.memory_space<vmem>>, %arg2: memref<128x128xf32, #tpu.memory_space<vmem>>, %arg3: memref<2x512x16xf32, #tpu.memory_space<vmem>>, %arg4: memref<512x128xf32, #tpu.memory_space<vmem>>) attributes {dimension_semantics = [#tpu.dimension_semantics<arbitrary>], iteration_bounds = array<i64: 20>, scalar_prefetch = 0 : i64, scratch_operands = 0 : i64, tpu.core_type = #tpu.core_type<tc>, window_params = [{transform_indices = @transform_0, window_bounds = array<i64: 512, 128>}, {pipeline_mode = #tpu.pipeline_mode<synchronous>, transform_indices = @transform_1, window_bounds = array<i64: 128, 128>}, {transform_indices = @transform_2, window_bounds = array<i64: 2, 512, 16>}, {transform_indices = @transform_3, window_bounds = array<i64: 512, 128>}]} {
    %get3A = arith.constant 0 : index
    %get3A_0 = arith.constant 0 : index
    %get3A_1 = arith.constant 0 : index
    %get3A_2 = vector.load %arg3[%get3A, %get3A_0, %get3A_1] : memref<2x512x16xf32, #tpu.memory_space<vmem>>, vector<1x512x1xf32>
    %get3A_3 = vector.shape_cast %get3A_2 : vector<1x512x1xf32> to vector<512x1xf32>
    %get3A_4 = arith.constant 1 : index
    %get3A_5 = arith.constant 0 : index
    %get3A_6 = arith.constant 0 : index
    %get3A_7 = vector.load %arg3[%get3A_4, %get3A_5, %get3A_6] : memref<2x512x16xf32, #tpu.memory_space<vmem>>, vector<1x512x1xf32>
    %get3A_8 = vector.shape_cast %get3A_7 : vector<1x512x1xf32> to vector<512x1xf32>
    %add3A = arith.addf %get3A_3, %get3A_8 : vector<512x1xf32>
    %add3A_9 = arith.constant 1.000000e+00 : f32
    %add3A_10 = vector.broadcast %add3A_9 : f32 to vector<512x1xf32>
    %add3A_11 = arith.addf %add3A, %add3A_10 : vector<512x1xf32>
    %rsqrt3A = math.rsqrt %add3A_11 : vector<512x1xf32>
    %get3A_12 = arith.constant 0 : index
    %get3A_13 = arith.constant 0 : index
    %get3A_14 = vector.load %arg1[%get3A_12, %get3A_13] : memref<512x128xf32, #tpu.memory_space<vmem>>, vector<512x128xf32>
    %get3A_15 = arith.constant 0 : index
    %get3A_16 = arith.constant 0 : index
    %get3A_17 = vector.load %arg2[%get3A_15, %get3A_16] : memref<128x128xf32, #tpu.memory_space<vmem>>, vector<128x128xf32>
    %dot_general3A = arith.constant dense<0.000000e+00> : vector<512x128xf32>
    %dot_general3A_18 = tpu.matmul %get3A_14, %get3A_17, %dot_general3A {dimension_numbers = #tpu.dot_dimension_numbers<[1], [0], [0], [1], [0, 0, 1, 1], [], []>, transpose_lhs_hint = false} : vector<512x128xf32>, vector<128x128xf32>, vector<512x128xf32> -> vector<512x128xf32>
    %mul3A = vector.broadcast %rsqrt3A : vector<512x1xf32> to vector<512x128xf32>
    %mul3A_19 = arith.mulf %dot_general3A_18, %mul3A : vector<512x128xf32>
    %swap3A = arith.constant 0 : index
    %swap3A_20 = arith.constant 0 : index
    %swap3A_21 = vector.load %arg4[%swap3A, %swap3A_20] : memref<512x128xf32, #tpu.memory_space<vmem>>, vector<512x128xf32>
    tpu.vector_store %arg4[%swap3A, %swap3A_20], %mul3A_19 {strides = array<i32>} : memref<512x128xf32, #tpu.memory_space<vmem>>, vector<512x128xf32>,
    return
  }
  func.func @transform_0(%arg0: i32) -> (i32, i32) {
    %c0_i32 = arith.constant 0 : i32
    %c0_i32_0 = arith.constant 0 : i32
    return %arg0, %c0_i32 : i32, i32
  }
  func.func @transform_1(%arg0: i32) -> (i32, i32) {
    %c0_i32 = arith.constant 0 : i32
    %c0_i32_0 = arith.constant 0 : i32
    %c0_i32_1 = arith.constant 0 : i32
    return %c0_i32, %c0_i32_0 : i32, i32
  }
  func.func @transform_2(%arg0: i32) -> (i32, i32, i32) {
    %c0_i32 = arith.constant 0 : i32
    %c0_i32_0 = arith.constant 0 : i32
    %c0_i32_1 = arith.constant 0 : i32
    return %c0_i32, %arg0, %c0_i32_0 : i32, i32, i32
  }
  func.func @transform_3(%arg0: i32) -> (i32, i32) {
    %c0_i32 = arith.constant 0 : i32
    %c0_i32_0 = arith.constant 0 : i32
    return %arg0, %c0_i32 : i32, i32
  }
}

module attributes {stable_mosaic.version = 14 : i64} {
  func.func @_comb_body(%arg0: i32, %arg1: memref<2x1024x128xf32, #tpu.memory_space<vmem>>, %arg2: memref<1024x128xf32, #tpu.memory_space<vmem>>, %arg3: memref<2x1024x16xf32, #tpu.memory_space<vmem>>, %arg4: memref<1x128xf32, #tpu.memory_space<vmem>>, %arg5: memref<1024x128xf32, #tpu.memory_space<vmem>>) attributes {dimension_semantics = [#tpu.dimension_semantics<arbitrary>], iteration_bounds = array<i64: 10>, scalar_prefetch = 0 : i64, scratch_operands = 0 : i64, tpu.core_type = #tpu.core_type<tc>, window_params = [{transform_indices = @transform_0, window_bounds = array<i64: 2, 1024, 128>}, {transform_indices = @transform_1, window_bounds = array<i64: 1024, 128>}, {transform_indices = @transform_2, window_bounds = array<i64: 2, 1024, 16>}, {pipeline_mode = #tpu.pipeline_mode<synchronous>, transform_indices = @transform_3, window_bounds = array<i64: 1, 128>}, {transform_indices = @transform_4, window_bounds = array<i64: 1024, 128>}]} {
    %get3A = arith.constant 0 : index
    %get3A_0 = arith.constant 0 : index
    %get3A_1 = arith.constant 0 : index
    %get3A_2 = vector.load %arg3[%get3A, %get3A_0, %get3A_1] : memref<2x1024x16xf32, #tpu.memory_space<vmem>>, vector<1x1024x1xf32>
    %get3A_3 = vector.shape_cast %get3A_2 : vector<1x1024x1xf32> to vector<1024x1xf32>
    %get3A_4 = arith.constant 1 : index
    %get3A_5 = arith.constant 0 : index
    %get3A_6 = arith.constant 0 : index
    %get3A_7 = vector.load %arg3[%get3A_4, %get3A_5, %get3A_6] : memref<2x1024x16xf32, #tpu.memory_space<vmem>>, vector<1x1024x1xf32>
    %get3A_8 = vector.shape_cast %get3A_7 : vector<1x1024x1xf32> to vector<1024x1xf32>
    %add3A = arith.addf %get3A_3, %get3A_8 : vector<1024x1xf32>
    %add3A_9 = arith.constant 1.000000e+00 : f32
    %add3A_10 = vector.broadcast %add3A_9 : f32 to vector<1024x1xf32>
    %add3A_11 = arith.addf %add3A, %add3A_10 : vector<1024x1xf32>
    %rsqrt3A = math.rsqrt %add3A_11 : vector<1024x1xf32>
    %get3A_12 = arith.constant 0 : index
    %get3A_13 = arith.constant 0 : index
    %get3A_14 = arith.constant 0 : index
    %get3A_15 = vector.load %arg1[%get3A_12, %get3A_13, %get3A_14] : memref<2x1024x128xf32, #tpu.memory_space<vmem>>, vector<1x1024x128xf32>
    %get3A_16 = vector.shape_cast %get3A_15 : vector<1x1024x128xf32> to vector<1024x128xf32>
    %get3A_17 = arith.constant 1 : index
    %get3A_18 = arith.constant 0 : index
    %get3A_19 = arith.constant 0 : index
    %get3A_20 = vector.load %arg1[%get3A_17, %get3A_18, %get3A_19] : memref<2x1024x128xf32, #tpu.memory_space<vmem>>, vector<1x1024x128xf32>
    %get3A_21 = vector.shape_cast %get3A_20 : vector<1x1024x128xf32> to vector<1024x128xf32>
    %add3A_22 = arith.addf %get3A_16, %get3A_21 : vector<1024x128xf32>
    %get3A_23 = arith.constant 0 : index
    %get3A_24 = arith.constant 0 : index
    %get3A_25 = vector.load %arg2[%get3A_23, %get3A_24] : memref<1024x128xf32, #tpu.memory_space<vmem>>, vector<1024x128xf32>
    %add3A_26 = arith.addf %add3A_22, %get3A_25 : vector<1024x128xf32>
    %mul3A = vector.broadcast %rsqrt3A : vector<1024x1xf32> to vector<1024x128xf32>
    %mul3A_27 = arith.mulf %mul3A, %add3A_26 : vector<1024x128xf32>
    %get3A_28 = arith.constant 0 : index
    %get3A_29 = arith.constant 0 : index
    %get3A_30 = vector.load %arg4[%get3A_28, %get3A_29] : memref<1x128xf32, #tpu.memory_space<vmem>>, vector<1x128xf32>
    %add3A_31 = vector.broadcast %get3A_30 : vector<1x128xf32> to vector<1024x128xf32>
    %add3A_32 = arith.addf %mul3A_27, %add3A_31 : vector<1024x128xf32>
    %swap3A = arith.constant 0 : index
    %swap3A_33 = arith.constant 0 : index
    %swap3A_34 = vector.load %arg5[%swap3A, %swap3A_33] : memref<1024x128xf32, #tpu.memory_space<vmem>>, vector<1024x128xf32>
    tpu.vector_store %arg5[%swap3A, %swap3A_33], %add3A_32 {strides = array<i32>} : memref<1024x128xf32, #tpu.memory_space<vmem>>, vector<1024x128xf32>,
    return
  }
  func.func @transform_0(%arg0: i32) -> (i32, i32, i32) {
    %c0_i32 = arith.constant 0 : i32
    %c0_i32_0 = arith.constant 0 : i32
    %c0_i32_1 = arith.constant 0 : i32
    return %c0_i32, %arg0, %c0_i32_0 : i32, i32, i32
  }
  func.func @transform_1(%arg0: i32) -> (i32, i32) {
    %c0_i32 = arith.constant 0 : i32
    %c0_i32_0 = arith.constant 0 : i32
    return %arg0, %c0_i32 : i32, i32
  }
  func.func @transform_2(%arg0: i32) -> (i32, i32, i32) {
    %c0_i32 = arith.constant 0 : i32
    %c0_i32_0 = arith.constant 0 : i32
    %c0_i32_1 = arith.constant 0 : i32
    return %c0_i32, %arg0, %c0_i32_0 : i32, i32, i32
  }
  func.func @transform_3(%arg0: i32) -> (i32, i32) {
    %c0_i32 = arith.constant 0 : i32
    %c0_i32_0 = arith.constant 0 : i32
    %c0_i32_1 = arith.constant 0 : i32
    return %c0_i32, %c0_i32_0 : i32, i32
  }
  func.func @transform_4(%arg0: i32) -> (i32, i32) {
    %c0_i32 = arith.constant 0 : i32
    %c0_i32_0 = arith.constant 0 : i32
    return %arg0, %c0_i32 : i32, i32
  }
}

</mosaic_0001>

<sc_bundles>
// kernel: kernel.6.cloned.1.call-start
scs
__scs_entry_jumppad:
0x0: {  	(pc) =	sbr.rel $0x88, $3  }
0x1: {  	(tag) =	ssettag $0x0;
	lr =	simm.s32 $0x1  }
0x2: {  	[smem:$0x3F9D] =	sst lr;
	_ =	strace $0xD0000000  }
0x3: {  	_ = 	snop  }
0x4: {  	_ = 	snop  }
0x5: {  	_ = 	snop  }
0x6: {  	_ = 	snop  }
0x7: {  	_ = 	snop  }
__scs_overlays_trampoline_lowered:
0x8: {  	[smem:$0x3FAC] =	sst s0  }
0x9: {  	[smem:$0x3FAD] =	sst s1  }
0xa: {  	[smem:$0x3FAE] =	sst s2  }
0xb: {  	[smem:$0x3FAF] =	sst s3  }
0xc: {  	[smem:$0x3FB0] =	sst s4  }
0xd: {  	[smem:$0x3FB1] =	sst s5  }
0xe: {  	[smem:$0x3FB2] =	sst s6  }
0xf: {  	[smem:$0x3FB3] =	sst s7  }
0x10: {  	[smem:$0x3FB4] =	sst s8  }
0x11: {  	[smem:$0x3FB5] =	sst s9;
	s0 =	simm.s32 @!p0 $0x0  }
0x12: {  	s1 =	sld [smem:$0x3F9B];
	s0 =	simm.s32 @p0 $0x1  }
0x13: {  	[smem:$0x3FB6] =	sst s0;
	s0 =	simm.s32 @!p1 $0x0  }
0x14: {  	s2 =	sld [smem:$0x3F9A];
	s0 =	simm.s32 @p1 $0x1  }
0x15: {  	[smem:$0x3FB7] =	sst s0;
	s0 =	simm.s32 @!p2 $0x0  }
0x16: {  	s3 =	sld [smem:$0x3FDB];
	s0 =	simm.s32 @p2 $0x1  }
0x17: {  	s4 =	simm.s32 $0x1BF5;
	[smem:$0x3FB9] =	sst s0  }
0x18: {  	s0 =	sld [smem:$0x3F9C];
	_ =	swait.ge [sflag:s4], $0x0  }
0x19: {  	s7 =	sld [smem:$0x3F9D]  }
0x1a: {  	s8 =	sadd.s32 $0xFFFFE003, lr  }
0x1b: {  	s9 =	sadd.s32 $0xFFFFFEF7, lr;
	s5 =	simm.s32 $0xFFFFFFFF;
	p2 =	slt.u32 s8, $0xFFFFF086  }
0x1c: {  	p1 =	slt.u32 s9, $0xF7A;
	s5 =	simm.s32 @!p2 $0x0  }
0x1d: {  	s5 =	simm.s32 @p1 $0x1;
	p0 =	seq.s32 s7, s2  }
0x1e: {  	s7 =	smul.u32 @!p0 $0xF7A, s2;
	p2 =	seq.s32 @!p0 s5, $0x0  }
0x1f: {  	s9 =	smul.u32 $0xF7A, s1;
	s8 =	simm.s32 @!p0 $0x1BF5;
	p2 =	por !p2, p0  }
0x20: {  	[sflag:s8] =	ssyncset.s32 @!p0 $0xFFFFF086;
	s6 =	sadd.s32 @!p0 s3, s7;
	s7 =	simm.s32 @!p0 $0x108  }
0x21: {  	s3 =	sadd.s32 s3, s9;
	s6 =	sadd.s32 @!p0 $0x88, s6;
	s7 =	simm.s32 @p2 $0x1082  }
0x22: {  	[simem:s7], [sflag:s8] =	dma.local @!p0 [hbm:s6], $0xF7A  }
0x23: {  	s9 =	sor.u32 $0xD0000000, s2;
	s6 =	simm.s32 $0x108;
	_ =	swait.ge @!p0 [sflag:s8], $0x0  }
0x24: {  	s3 =	sadd.s32 $0x88, s3;
	s6 =	simm.s32 @!p1 $0x1082;
	[sflag:s4] =	ssyncset.s32 $0xFFFFF086  }
0x25: {  	[simem:s6], [sflag:s4] =	dma.local [hbm:s3], $0xF7A  }
0x26: {  	[smem:$0x3F9D] =	sst s1;
	(tag) =	ssettag s2;
	_ =	strace s9  }
0x27: {  	s1 =	sld [smem:$0x3FAD]  }
0x28: {  	s2 =	sld [smem:$0x3FAE]  }
0x29: {  	s4 =	sld [smem:$0x3FB0]  }
0x2a: {  	p0 =	seq.s32 s5, $0x0;
	s5 =	sld [smem:$0x3FB1]  }
0x2b: {  	s6 =	sld [smem:$0x3FB2]  }
0x2c: {  	s7 =	sld [smem:$0x3FB3]  }
0x2d: {  	s3 =	simm.s32 $0x108;
	s8 =	sld [smem:$0x3FB4]  }
0x2e: {  	s3 =	simm.s32 @!p0 $0x1082;
	s9 =	sld [smem:$0x3FB5]  }
0x2f: {  	lr =	sadd.s32 s0, s3;
	s0 =	sld [smem:$0x3FAC]  }
0x30: {  	s3 =	sld [smem:$0x3FAF]  }
0x31: {  	[smem:$0x3FB8] =	sst s10  }
0x32: {  	s10 =	sld [smem:$0x3FB6];
	_ =	sdelay $0x3  }
0x33: {  	p0 =	seq.s32 s10, $0x1;
	s10 =	sld [smem:$0x3FB8];
	_ =	sdelay $0x3  }
0x34: {  	[smem:$0x3FB8] =	sst s10  }
0x35: {  	s10 =	sld [smem:$0x3FB7];
	_ =	sdelay $0x3  }
0x36: {  	p1 =	seq.s32 s10, $0x1;
	s10 =	sld [smem:$0x3FB8];
	_ =	sdelay $0x3  }
0x37: {  	[smem:$0x3FB8] =	sst s10  }
0x38: {  	s10 =	sld [smem:$0x3FB9]  }
0x39: {  	_ = 	snop;
	(pc) =	sbr.ind lr, $3  }
0x3a: {  	_ = 	snop  }
0x3b: {  	_ = 	snop  }
0x3c: {  	p2 =	seq.s32 s10, $0x1;
	s10 =	sld [smem:$0x3FB8]  }
0x3d: {  	_ =	shalt  }
0x3e: {  	_ =	shalt  }
0x3f: {  	_ =	shalt  }
0x40: {  	_ =	shalt  }
0x41: {  	_ =	shalt  }
0x42: {  	_ =	shalt  }
0x43: {  	_ =	shalt  }
0x44: {  	_ =	shalt  }
0x45: {  	_ =	shalt  }
0x46: {  	_ =	shalt  }
0x47: {  	_ =	shalt  }
0x48: {  	_ =	shalt  }
0x49: {  	_ =	shalt  }
0x4a: {  	_ =	shalt  }
0x4b: {  	_ =	shalt  }
0x4c: {  	_ =	shalt  }
0x4d: {  	_ =	shalt  }
0x4e: {  	_ =	shalt  }
0x4f: {  	_ =	shalt  }
0x50: {  	_ =	shalt  }
0x51: {  	_ =	shalt  }
0x52: {  	_ =	shalt  }
0x53: {  	_ =	shalt  }
0x54: {  	_ =	shalt  }
0x55: {  	_ =	shalt  }
0x56: {  	_ =	shalt  }
0x57: {  	_ =	shalt  }
0x58: {  	_ =	shalt  }
0x59: {  	_ =	shalt  }
0x5a: {  	_ =	shalt  }
0x5b: {  	_ =	shalt  }
0x5c: {  	_ =	shalt  }
0x5d: {  	_ =	shalt  }
0x5e: {  	_ =	shalt  }
0x5f: {  	_ =	shalt  }
0x60: {  	_ =	shalt  }
0x61: {  	_ =	shalt  }
0x62: {  	_ =	shalt  }
0x63: {  	_ =	shalt  }
0x64: {  	_ =	shalt  }
0x65: {  	_ =	shalt  }
0x66: {  	_ =	shalt  }
0x67: {  	_ =	shalt  }
0x68: {  	_ =	shalt  }
0x69: {  	_ =	shalt  }
0x6a: {  	_ =	shalt  }
0x6b: {  	_ =	shalt  }
0x6c: {  	_ =	shalt  }
0x6d: {  	_ =	shalt  }
0x6e: {  	_ =	shalt  }
0x6f: {  	_ =	shalt  }
0x70: {  	_ =	shalt  }
0x71: {  	_ =	shalt  }
0x72: {  	_ =	shalt  }
0x73: {  	_ =	shalt  }
0x74: {  	_ =	shalt  }
0x75: {  	_ =	shalt  }
0x76: {  	_ =	shalt  }
0x77: {  	_ =	shalt  }
0x78: {  	_ =	shalt  }
0x79: {  	_ =	shalt  }
0x7a: {  	_ =	shalt  }
0x7b: {  	_ =	shalt  }
0x7c: {  	_ =	shalt  }
0x7d: {  	_ =	shalt  }
0x7e: {  	_ =	shalt  }
0x7f: {  	_ =	shalt  }
0x80: {  	_ =	shalt  }
0x81: {  	_ =	shalt  }
0x82: {  	_ =	shalt  }
0x83: {  	_ =	shalt  }
0x84: {  	_ =	shalt  }
0x85: {  	_ =	shalt  }
0x86: {  	_ =	shalt  }
0x87: {  	_ =	shalt  }
.Lfunc_end0:
.L_simem_size_0:
called_computation_lowered:
.L_overlay_start_0:
0x88: {  	s2 =	sld [smem:$0x3FD9]  }
0x89: {  	s3 =	sld [smem:$0x3FFE];
	_ =	sdelay $0x1  }
0x8a: {  	s1 =	srdreg.scid  }
0x8b: {  	s0 =	sand.u32 $0x1, s1  }
0x8c: {  	s17 =	sshll.u32 s0, $0xA;
	s2 =	sadd.s32 s3, s2  }
0x8d: {  	s2 =	sadd.s32 s2, s17  }
0x8e: {  	[smem:$0x3FC4] =	sst s2  }
0x8f: {  	_ = 	snop  }
0x90: {  	s2 =	sld [smem:$0x3FD0];
	(tm) =	ssettm $0x1  }
0x91: {  	s18 =	sld [smem:$0x3FFB];
	_ =	sdelay $0x3  }
0x92: {  	_ =	strace s18  }
0x93: {  	s3 =	sld [smem:$0x3FFC];
	_ =	sdelay $0x3  }
0x94: {  	_ =	strace s3  }
0x95: {  	s3 =	sld [smem:$0x3FFD];
	_ =	sdelay $0x3  }
0x96: {  	_ =	strace s3  }
0x97: {  	_ =	strace $0x8FFFFFFF  }
0x98: {  	s19 =	sld [smem:$0x3FDB];
	_ =	sdelay $0x1  }
0x99: {  	s4 =	simm.s32 $_scs_section_size  }
0x9a: {  	s5 =	simm.s32 $_size__tile_overlayer_lowered;
	s6 =	simm.s32 $_tile_overlayer_lowered  }
0x9b: {  	s22 =	simm.s32 $0x1BFF;
	s21 =	sshll.u32 s6, $0x1;
	s3 =	sadd.s32 s4, s19  }
0x9c: {  	s7 =	simm.s32 $0x0;
	s20 =	sshll.u32 s5, $0x1;
	s5 =	sadd.s32 s21, s3  }
0x9d: {  	[timem:s7], [sflag:s22] =	dma.local [hbm:s5], s20  }
0x9e: {  	_ =	swait.ge [sflag:s22], s20  }
0x9f: {  	s4 =	ssub.s32 $0x0, s20;
	[sflag:s22] =	ssyncset.done $0x0  }
0xa0: {  	[sflag:s22] =	ssyncadd.s32 s4;
	_ =	sdelay $0x1  }
0xa1: {  	s23 =	simm.s32 $0x1B8B  }
0xa2: {  	_ =	swait.ge [sflag:s23], $0x1  }
0xa3: {  	[sflag:s23] =	ssyncset.done $0x0  }
0xa4: {  	s25 =	simm.s32 $0x1B8E;
	s24 =	sld [smem:$0x3FFE];
	[sflag:s23] =	ssyncadd.s32 $0xFFFFFFFF  }
0xa5: {  	s26 =	simm.s32 $execute0_lowered;
	[smem:$0x3FD2] =	sst s25  }
0xa6: {  	s5 =	sshll.u32 s26, $0x1;
	_ =	strace $0x80000046;
	[dreg:$0x1] =	wrdreg $0xFFFFFFFF  }
0xa7: {  	s28 =	simm.s32 $_size_execute0_lowered;
	s3 =	sadd.s32 s3, s5;
	[dreg:$0x0] =	wrdreg $0x0  }
0xa8: {  	s5 =	sshll.u32 s28, $0x1;
	[dreg:$0x2] =	wrdreg s3  }
0xa9: {  	[dreg:$0x3] =	wrdreg s5  }
0xaa: {  	[dreg:$0x4] =	wrdreg $0xC0  }
0xab: {  	_ =	task [dreg:s7], $0x5FFFF  }
0xac: {  	[dreg:$0x1] =	wrdreg $0xFFFFFFFF  }
0xad: {  	[dreg:$0x0] =	wrdreg $0x60  }
0xae: {  	[dreg:$0x2] =	wrdreg s2  }
0xaf: {  	[dreg:$0x3] =	wrdreg s24  }
0xb0: {  	[dreg:$0x4] =	wrdreg $0x0  }
0xb1: {  	[dreg:$0x5] =	wrdreg $0x9  }
0xb2: {  	_ =	task.clear_ibuf [dreg:s7], $0x6FFFF;
	_ =	strace $0x90000046  }
0xb3: {  	s29 =	simm.s32 $0x9;
	_ =	strace $0x80000048  }
0xb4: {  	_ =	swait.ge [sflag:s29], $0x1  }
0xb5: {  	[sflag:s29] =	ssyncadd.s32 $0xFFFFFFFF  }
0xb6: {  	_ =	strace $0x90000048  }
0xb7: {  	_ =	sfence  }
0xb8: {  	s30 =	sld [smem:$0x0];
	_ =	sdelay $0x2  }
0xb9: {  	s31 =	sshll.u32 s1, $0xD;
	s1 =	sshrl.u32 s1, $0x2  }
0xba: {  	s3 =	sand.u32 $0x4000, s31;
	s1 =	sadd.s32 s1, s30  }
0xbb: {  	s0 =	sor.u32 s3, s0;
	s1 =	sshll.u32 s1, $0x11  }
0xbc: {  	s0 =	sor.u32 s1, s0  }
0xbd: {  	s0 =	sadd.s32 $0x8F2B, s0  }
0xbe: {  	[sflag:s0] =	ssyncadd.remote.s32 $0x1  }
0xbf: {  	_ =	sfence.sel $0xFFFF  }
0xc0: {  	[dreg:$0x0] =	wrdreg $0xFFFFFFFF;
	(pc) =	sbr.abs _section_cstart, $3  }
0xc1: {  	[dreg:$0x1] =	wrdreg $0xFFFFFFFF  }
0xc2: {  	_ =	task.clear_ibuf [dreg:s7], $0x2FFFF;
	_ =	strace $0x9FFFFFFF  }
0xc3: {  	(tm) =	ssettm $0x7FFFFFFF  }
tec
execute0_lowered:
.L_overlay_start_1:
0x0: {  	(tag) =	ssettag $0x1  }
0x1: {  	s10 =	rddreg [dreg:$0x0]  }
0x2: {  	s4 =	rddreg [dreg:$0x1]  }
0x3: {  	s2 =	rddreg [dreg:$0x2]  }
0x4: {  	s0 =	srdreg.scid;
	s1 =	rddreg [dreg:$0x3];
	s3 =	simm.s32 $0x0  }
0x5: {  	s14 =	simm.s32 $0x1;
	s15 =	simm.s32 $0x80;
	s5 =	sand.u32 $0x1, s0  }
0x6: {  	s16 =	simm.s32 $0x5000;
	s0 =	stileid.u32;
	s6 =	smul.u32 $0x140000, s5  }
0x7: {  	s19 =	simm.s32 $0x0;
	[smem:$0x7FF] =	sst s3;
	s7 =	smul.u32 $0x14000, s0  }
0x8: {  	s28 =	smul.u32 $0x50000, s0;
	_ =	strace $0x80000047;
	s29 =	ssub.s32 $0x2, s5  }
0x9: {  	s5 =	sshll.u32 s5, $0x4;
	s17 =	sshll.u32 s0, $0x6;
	s31 =	sshrl.u32 s29, $0x1  }
0xa: {  	s9 =	sor.u32 s0, s5;
	s17 =	sor.u32 $0x1C01, s17;
	s6 =	sadd.s32 s7, s6  }
0xb: {  	s30 =	sshrl.u32 s28, $0x2;
	s12 =	ssub.s32 s29, s31;
	s13 =	smul.u32 $0x500, s9  }
0xc: {  	p0 =	seq.s32 s9, $0x1F;
	s9 =	simm.s32 $0x14;
	s6 =	sshrl.u32 s6, $0x3  }
0xd: {  	s9 =	simm.s32 @!p0 $0x50;
	s12 =	smax.u32 s12, $0x1;
	s11 =	sadd.s32 s6, s4  }
0xe: {  	s4 =	sadd.s32 s30, s2;
	s10 =	sadd.s32 s10, s13;
	s13 =	simm.s32 $0x9000  }
0xf: {  	s5 =	sadd.s32 $0x4000, s4;
	s6 =	sadd.s32 $0x8000, s4;
	s7 =	sadd.s32 $0xC000, s4  }
0x10: {  	v0 =	vimm.f32 $1.000000000e+00;
	v1 =	vimm.f32 $0.0e+00;
	s8 =	sadd.s32 $0x10000, s4;
	s11 =	sadd.s32 $0x1A00, s11;
	s18 =	sshrl.u32 s4, $0x3  }
.LBB2_1:
0x11: {  	s20 =	simm.s32 $0x200;
	s21 =	simm.s32 $0x0  }
.LBB2_2:
0x12: {  	p0 =	sne.s32 s20, $0xFE00;
	[tilespmem:s21+$0x5000] =	vst v0;
	s22 =	smov.u32 s20;
	s20 =	sadd.s32 $0x200, s20  }
.Ltmp0:
0x13: {  	[tilespmem:s21+$0x9000] =	vst v1;
	(pc) =	sbr.rel @p0 .LBB2_2-.Ltmp0, $2  }
0x14: {  	_ =	sdelay $0x2  }
0x15: {  	s21 =	sshra.s32 s22, $0x2  }
0x16: {  	[tilespmem:s21+$0x5000] =	vst v0  }
0x17: {  	[tilespmem:s21+$0x9000] =	vst v1  }
0x18: {  	[spmem:s4] =	stream.linear.scatter [tilespmem:s13], [sflag:$0x1], $0x4000, $0x38;
	[tilespmem:$0xD000] =	vst v63  }
0x19: {  	_ =	swait.ge [sflag:s14], $0x4000  }
0x1a: {  	[sflag:s14] =	ssyncset.done $0x0  }
0x1b: {  	[sflag:s14] =	ssyncadd.s32 $0xFFFFC000  }
0x1c: {  	[spmem:s5] =	stream.linear.scatter [tilespmem:s13], [sflag:$0x1], $0x4000, $0x38;
	[tilespmem:$0xD000] =	vst v63  }
0x1d: {  	_ =	swait.ge [sflag:s14], $0x4000  }
0x1e: {  	[sflag:s14] =	ssyncset.done $0x0  }
0x1f: {  	[sflag:s14] =	ssyncadd.s32 $0xFFFFC000  }
0x20: {  	[spmem:s6] =	stream.linear.scatter [tilespmem:s13], [sflag:$0x1], $0x4000, $0x38;
	[tilespmem:$0xD000] =	vst v63  }
0x21: {  	_ =	swait.ge [sflag:s14], $0x4000  }
0x22: {  	[sflag:s14] =	ssyncset.done $0x0  }
0x23: {  	[sflag:s14] =	ssyncadd.s32 $0xFFFFC000  }
0x24: {  	[spmem:s7] =	stream.linear.scatter [tilespmem:s13], [sflag:$0x1], $0x4000, $0x38;
	[tilespmem:$0xD000] =	vst v63  }
0x25: {  	_ =	swait.ge [sflag:s14], $0x4000  }
0x26: {  	[sflag:s14] =	ssyncset.done $0x0  }
0x27: {  	[sflag:s14] =	ssyncadd.s32 $0xFFFFC000  }
0x28: {  	[spmem:s8] =	stream.linear.scatter [tilespmem:s13], [sflag:$0x1], $0x4000, $0x38;
	[tilespmem:$0xD000] =	vst v63  }
0x29: {  	_ =	swait.ge [sflag:s14], $0x4000  }
0x2a: {  	[sflag:s14] =	ssyncset.done $0x0  }
0x2b: {  	[sflag:s14] =	ssyncadd.s32 $0xFFFFC000  }
0x2c: {  	s20 =	simm.s32 $0x2800;
	[bflag:$0x0] =	sbarrier.arrive $0xFFFF  }
0x2d: {  	[tilespmem:s20], [sflag:$0x1] =	stream.linear.gather [hbm4b:s10+s3], $0x2800, $0x38;
	[tilespmem:$0xD000] =	vst v63  }
0x2e: {  	p0 =	sne.s32 s9, $0x1;
	_ =	swait.ge [sflag:s14], $0x2800  }
.Ltmp1:
0x2f: {  	[sflag:s14] =	ssyncset.done $0x0;
	(pc) =	sbr.rel @!p0 .LBB2_5-.Ltmp1, $4  }
0x30: {  	[sflag:s14] =	ssyncadd.s32 $0xFFFFD800  }
0x31: {  	[spmem:s2] =	stream.indirect.scatter.add.f32 [tilespmem:s16], [sflag:$0x1], $0x10, s20, s15, $0xb8;
	[tilespmem:$0xD000] =	vst v63  }
0x32: {  	_ =	swait.ge [sflag:s14], $0x800  }
0x33: {  	s21 =	sadd.s32 $0xFFFFFFFF, s9;
	[sflag:s14] =	ssyncset.done $0x0  }
.LBB2_4:
0x34: {  	p0 =	sne.s32 s21, $0x1;
	[sflag:s14] =	ssyncadd.s32 $0xFFFFF800;
	s20 =	sadd.s32 $0x80, s20  }
.Ltmp2:
0x35: {  	s21 =	sadd.s32 $0xFFFFFFFF, s21;
	(pc) =	sbr.rel @p0 .LBB2_4-.Ltmp2, $4  }
0x36: {  	_ = 	snop  }
0x37: {  	[spmem:s2] =	stream.indirect.scatter.add.f32 [tilespmem:s16], [sflag:$0x1], $0x10, s20, s15, $0xb8;
	[tilespmem:$0xD000] =	vst v63  }
0x38: {  	_ =	swait.ge [sflag:s14], $0x800  }
0x39: {  	[sflag:s14] =	ssyncset.done $0x0  }
.LBB2_5:
0x3a: {  	s19 =	sadd.s32 $0x1, s19  }
0x3b: {  	[sflag:s14] =	ssyncadd.s32 $0xFFFFF800;
	p0 =	sne.s32 s19, s12  }
.Ltmp3:
0x3c: {  	[bflag:$0x0] =	sbarrier.arrive $0xFFFF;
	(pc) =	sbr.rel @p0 .LBB2_1-.Ltmp3, $4  }
0x3d: {  	[hbm:s11], [sflag:s17] =	dma.local [spmem:s18], $0x2800  }
0x3e: {  	_ =	swait.ge [sflag:s14], $0x2800  }
0x3f: {  	[sflag:s14] =	ssyncset.done $0x0  }
0x40: {  	[sflag:s14] =	ssyncadd.s32 $0xFFFFD800  }
0x41: {  	_ =	sfence.sel $0x180000  }
0x42: {  	[bflag:$0x0] =	sbarrier.arrive $0xFFFF  }
0x43: {  	p0 =	sne.s32 s0, $0x0;
	_ =	strace $0x90000047  }
0x44: {  	s0 =	sadd.s32 @!p0 $0x100000, s1;
	[bflag:$0x2] =	sbarrier.arrive $0xFFFF  }
0x45: {  	[sflag:s0] =	ssyncadd.tile.s32 @!p0 $0x1;
	_ =	shalt  }
.Lfunc_end2:
_tile_overlayer_lowered:
.L_overlay_start_2:
0x46: {  	(tag) =	ssettag $0x2  }
0x47: {  	s0 =	rddreg [dreg:$0x0];
	s2 =	stileid.u32  }
0x48: {  	s1 =	rddreg [dreg:$0x1];
	p0 =	sne.s32 s2, $0x0  }
0x49: {  	s3 =	rddreg [dreg:$0x2];
	[bflag:$0x3] =	sbarrier.arrive $0xFFFF;
	s2 =	simm.s32 @!p0 $0x1C01  }
0x4a: {  	[timem:s3], [sflag:s2] =	dma.local @!p0 [hbm:s0], s1  }
0x4b: {  	s0 =	simm.s32 @!p0 $0x1  }
0x4c: {  	_ =	swait.ge @!p0 [sflag:s0], s1  }
0x4d: {  	s1 =	ssub.s32 @!p0 $0x0, s1;
	[sflag:s0] =	ssyncset.done @!p0 $0x0  }
0x4e: {  	[sflag:s0] =	ssyncadd.s32 @!p0 s1  }
0x4f: {  	[bflag:$0x3] =	sbarrier.arrive $0xFFFF  }
0x50: {  	_ =	shalt  }

// kernel: kernel.9.cloned.1.call-start
scs
__scs_entry_jumppad:
0x0: {  	(pc) =	sbr.rel $0x88, $3  }
0x1: {  	(tag) =	ssettag $0x0;
	lr =	simm.s32 $0x1  }
0x2: {  	[smem:$0x3F9D] =	sst lr;
	_ =	strace $0xD0000000  }
0x3: {  	_ = 	snop  }
0x4: {  	_ = 	snop  }
0x5: {  	_ = 	snop  }
0x6: {  	_ = 	snop  }
0x7: {  	_ = 	snop  }
__scs_overlays_trampoline_lowered:
0x8: {  	[smem:$0x3FAC] =	sst s0  }
0x9: {  	[smem:$0x3FAD] =	sst s1  }
0xa: {  	[smem:$0x3FAE] =	sst s2  }
0xb: {  	[smem:$0x3FAF] =	sst s3  }
0xc: {  	[smem:$0x3FB0] =	sst s4  }
0xd: {  	[smem:$0x3FB1] =	sst s5  }
0xe: {  	[smem:$0x3FB2] =	sst s6  }
0xf: {  	[smem:$0x3FB3] =	sst s7  }
0x10: {  	[smem:$0x3FB4] =	sst s8  }
0x11: {  	[smem:$0x3FB5] =	sst s9;
	s0 =	simm.s32 @!p0 $0x0  }
0x12: {  	s1 =	sld [smem:$0x3F9B];
	s0 =	simm.s32 @p0 $0x1  }
0x13: {  	[smem:$0x3FB6] =	sst s0;
	s0 =	simm.s32 @!p1 $0x0  }
0x14: {  	s2 =	sld [smem:$0x3F9A];
	s0 =	simm.s32 @p1 $0x1  }
0x15: {  	[smem:$0x3FB7] =	sst s0;
	s0 =	simm.s32 @!p2 $0x0  }
0x16: {  	s3 =	sld [smem:$0x3FDB];
	s0 =	simm.s32 @p2 $0x1  }
0x17: {  	s4 =	simm.s32 $0x1BF5;
	[smem:$0x3FB9] =	sst s0  }
0x18: {  	s0 =	sld [smem:$0x3F9C];
	_ =	swait.ge [sflag:s4], $0x0  }
0x19: {  	s7 =	sld [smem:$0x3F9D]  }
0x1a: {  	s8 =	sadd.s32 $0xFFFFE003, lr  }
0x1b: {  	s9 =	sadd.s32 $0xFFFFFEF7, lr;
	s5 =	simm.s32 $0xFFFFFFFF;
	p2 =	slt.u32 s8, $0xFFFFF086  }
0x1c: {  	p1 =	slt.u32 s9, $0xF7A;
	s5 =	simm.s32 @!p2 $0x0  }
0x1d: {  	s5 =	simm.s32 @p1 $0x1;
	p0 =	seq.s32 s7, s2  }
0x1e: {  	s7 =	smul.u32 @!p0 $0xF7A, s2;
	p2 =	seq.s32 @!p0 s5, $0x0  }
0x1f: {  	s9 =	smul.u32 $0xF7A, s1;
	s8 =	simm.s32 @!p0 $0x1BF5;
	p2 =	por !p2, p0  }
0x20: {  	[sflag:s8] =	ssyncset.s32 @!p0 $0xFFFFF086;
	s6 =	sadd.s32 @!p0 s3, s7;
	s7 =	simm.s32 @!p0 $0x108  }
0x21: {  	s3 =	sadd.s32 s3, s9;
	s6 =	sadd.s32 @!p0 $0x88, s6;
	s7 =	simm.s32 @p2 $0x1082  }
0x22: {  	[simem:s7], [sflag:s8] =	dma.local @!p0 [hbm:s6], $0xF7A  }
0x23: {  	s9 =	sor.u32 $0xD0000000, s2;
	s6 =	simm.s32 $0x108;
	_ =	swait.ge @!p0 [sflag:s8], $0x0  }
0x24: {  	s3 =	sadd.s32 $0x88, s3;
	s6 =	simm.s32 @!p1 $0x1082;
	[sflag:s4] =	ssyncset.s32 $0xFFFFF086  }
0x25: {  	[simem:s6], [sflag:s4] =	dma.local [hbm:s3], $0xF7A  }
0x26: {  	[smem:$0x3F9D] =	sst s1;
	(tag) =	ssettag s2;
	_ =	strace s9  }
0x27: {  	s1 =	sld [smem:$0x3FAD]  }
0x28: {  	s2 =	sld [smem:$0x3FAE]  }
0x29: {  	s4 =	sld [smem:$0x3FB0]  }
0x2a: {  	p0 =	seq.s32 s5, $0x0;
	s5 =	sld [smem:$0x3FB1]  }
0x2b: {  	s6 =	sld [smem:$0x3FB2]  }
0x2c: {  	s7 =	sld [smem:$0x3FB3]  }
0x2d: {  	s3 =	simm.s32 $0x108;
	s8 =	sld [smem:$0x3FB4]  }
0x2e: {  	s3 =	simm.s32 @!p0 $0x1082;
	s9 =	sld [smem:$0x3FB5]  }
0x2f: {  	lr =	sadd.s32 s0, s3;
	s0 =	sld [smem:$0x3FAC]  }
0x30: {  	s3 =	sld [smem:$0x3FAF]  }
0x31: {  	[smem:$0x3FB8] =	sst s10  }
0x32: {  	s10 =	sld [smem:$0x3FB6];
	_ =	sdelay $0x3  }
0x33: {  	p0 =	seq.s32 s10, $0x1;
	s10 =	sld [smem:$0x3FB8];
	_ =	sdelay $0x3  }
0x34: {  	[smem:$0x3FB8] =	sst s10  }
0x35: {  	s10 =	sld [smem:$0x3FB7];
	_ =	sdelay $0x3  }
0x36: {  	p1 =	seq.s32 s10, $0x1;
	s10 =	sld [smem:$0x3FB8];
	_ =	sdelay $0x3  }
0x37: {  	[smem:$0x3FB8] =	sst s10  }
0x38: {  	s10 =	sld [smem:$0x3FB9]  }
0x39: {  	_ = 	snop;
	(pc) =	sbr.ind lr, $3  }
0x3a: {  	_ = 	snop  }
0x3b: {  	_ = 	snop  }
0x3c: {  	p2 =	seq.s32 s10, $0x1;
	s10 =	sld [smem:$0x3FB8]  }
0x3d: {  	_ =	shalt  }
0x3e: {  	_ =	shalt  }
0x3f: {  	_ =	shalt  }
0x40: {  	_ =	shalt  }
0x41: {  	_ =	shalt  }
0x42: {  	_ =	shalt  }
0x43: {  	_ =	shalt  }
0x44: {  	_ =	shalt  }
0x45: {  	_ =	shalt  }
0x46: {  	_ =	shalt  }
0x47: {  	_ =	shalt  }
0x48: {  	_ =	shalt  }
0x49: {  	_ =	shalt  }
0x4a: {  	_ =	shalt  }
0x4b: {  	_ =	shalt  }
0x4c: {  	_ =	shalt  }
0x4d: {  	_ =	shalt  }
0x4e: {  	_ =	shalt  }
0x4f: {  	_ =	shalt  }
0x50: {  	_ =	shalt  }
0x51: {  	_ =	shalt  }
0x52: {  	_ =	shalt  }
0x53: {  	_ =	shalt  }
0x54: {  	_ =	shalt  }
0x55: {  	_ =	shalt  }
0x56: {  	_ =	shalt  }
0x57: {  	_ =	shalt  }
0x58: {  	_ =	shalt  }
0x59: {  	_ =	shalt  }
0x5a: {  	_ =	shalt  }
0x5b: {  	_ =	shalt  }
0x5c: {  	_ =	shalt  }
0x5d: {  	_ =	shalt  }
0x5e: {  	_ =	shalt  }
0x5f: {  	_ =	shalt  }
0x60: {  	_ =	shalt  }
0x61: {  	_ =	shalt  }
0x62: {  	_ =	shalt  }
0x63: {  	_ =	shalt  }
0x64: {  	_ =	shalt  }
0x65: {  	_ =	shalt  }
0x66: {  	_ =	shalt  }
0x67: {  	_ =	shalt  }
0x68: {  	_ =	shalt  }
0x69: {  	_ =	shalt  }
0x6a: {  	_ =	shalt  }
0x6b: {  	_ =	shalt  }
0x6c: {  	_ =	shalt  }
0x6d: {  	_ =	shalt  }
0x6e: {  	_ =	shalt  }
0x6f: {  	_ =	shalt  }
0x70: {  	_ =	shalt  }
0x71: {  	_ =	shalt  }
0x72: {  	_ =	shalt  }
0x73: {  	_ =	shalt  }
0x74: {  	_ =	shalt  }
0x75: {  	_ =	shalt  }
0x76: {  	_ =	shalt  }
0x77: {  	_ =	shalt  }
0x78: {  	_ =	shalt  }
0x79: {  	_ =	shalt  }
0x7a: {  	_ =	shalt  }
0x7b: {  	_ =	shalt  }
0x7c: {  	_ =	shalt  }
0x7d: {  	_ =	shalt  }
0x7e: {  	_ =	shalt  }
0x7f: {  	_ =	shalt  }
0x80: {  	_ =	shalt  }
0x81: {  	_ =	shalt  }
0x82: {  	_ =	shalt  }
0x83: {  	_ =	shalt  }
0x84: {  	_ =	shalt  }
0x85: {  	_ =	shalt  }
0x86: {  	_ =	shalt  }
0x87: {  	_ =	shalt  }
.Lfunc_end0:
.L_simem_size_0:
called_computation.1_lowered:
.L_overlay_start_0:
0x88: {  	s2 =	sld [smem:$0x3FD9]  }
0x89: {  	s3 =	sld [smem:$0x3FFE];
	_ =	sdelay $0x1  }
0x8a: {  	s1 =	srdreg.scid  }
0x8b: {  	s0 =	sand.u32 $0x1, s1  }
0x8c: {  	s17 =	sshll.u32 s0, $0xA;
	s2 =	sadd.s32 s3, s2  }
0x8d: {  	s2 =	sadd.s32 s2, s17  }
0x8e: {  	[smem:$0x3FC4] =	sst s2  }
0x8f: {  	_ = 	snop  }
0x90: {  	s2 =	sld [smem:$0x3FD0];
	(tm) =	ssettm $0x1  }
0x91: {  	s18 =	sld [smem:$0x3FFB];
	_ =	sdelay $0x3  }
0x92: {  	_ =	strace s18  }
0x93: {  	s3 =	sld [smem:$0x3FFC];
	_ =	sdelay $0x3  }
0x94: {  	_ =	strace s3  }
0x95: {  	s3 =	sld [smem:$0x3FFD];
	_ =	sdelay $0x3  }
0x96: {  	_ =	strace s3  }
0x97: {  	_ =	strace $0x8FFFFFFF  }
0x98: {  	s19 =	sld [smem:$0x3FDB];
	_ =	sdelay $0x1  }
0x99: {  	s4 =	simm.s32 $_scs_section_size  }
0x9a: {  	s5 =	simm.s32 $_size__tile_overlayer_lowered;
	s6 =	simm.s32 $_tile_overlayer_lowered  }
0x9b: {  	s22 =	simm.s32 $0x1BFF;
	s21 =	sshll.u32 s6, $0x1;
	s3 =	sadd.s32 s4, s19  }
0x9c: {  	s7 =	simm.s32 $0x0;
	s20 =	sshll.u32 s5, $0x1;
	s5 =	sadd.s32 s21, s3  }
0x9d: {  	[timem:s7], [sflag:s22] =	dma.local [hbm:s5], s20  }
0x9e: {  	_ =	swait.ge [sflag:s22], s20  }
0x9f: {  	s4 =	ssub.s32 $0x0, s20;
	[sflag:s22] =	ssyncset.done $0x0  }
0xa0: {  	[sflag:s22] =	ssyncadd.s32 s4;
	_ =	sdelay $0x1  }
0xa1: {  	s23 =	simm.s32 $0x1B8B  }
0xa2: {  	_ =	swait.ge [sflag:s23], $0x1  }
0xa3: {  	[sflag:s23] =	ssyncset.done $0x0  }
0xa4: {  	s25 =	simm.s32 $0x1B8E;
	s24 =	sld [smem:$0x3FFE];
	[sflag:s23] =	ssyncadd.s32 $0xFFFFFFFF  }
0xa5: {  	s26 =	simm.s32 $execute0_lowered;
	[smem:$0x3FD2] =	sst s25  }
0xa6: {  	s5 =	sshll.u32 s26, $0x1;
	_ =	strace $0x80000049;
	[dreg:$0x1] =	wrdreg $0xFFFFFFFF  }
0xa7: {  	s28 =	simm.s32 $_size_execute0_lowered;
	s3 =	sadd.s32 s3, s5;
	[dreg:$0x0] =	wrdreg $0x0  }
0xa8: {  	s5 =	sshll.u32 s28, $0x1;
	[dreg:$0x2] =	wrdreg s3  }
0xa9: {  	[dreg:$0x3] =	wrdreg s5  }
0xaa: {  	[dreg:$0x4] =	wrdreg $0xC0  }
0xab: {  	_ =	task [dreg:s7], $0x5FFFF  }
0xac: {  	[dreg:$0x1] =	wrdreg $0xFFFFFFFF  }
0xad: {  	[dreg:$0x0] =	wrdreg $0x60  }
0xae: {  	[dreg:$0x2] =	wrdreg s24  }
0xaf: {  	[dreg:$0x3] =	wrdreg s2  }
0xb0: {  	[dreg:$0x4] =	wrdreg $0x0  }
0xb1: {  	[dreg:$0x5] =	wrdreg $0x9  }
0xb2: {  	_ =	task.clear_ibuf [dreg:s7], $0x6FFFF;
	_ =	strace $0x90000049  }
0xb3: {  	s29 =	simm.s32 $0x9;
	_ =	strace $0x8000004B  }
0xb4: {  	_ =	swait.ge [sflag:s29], $0x1  }
0xb5: {  	[sflag:s29] =	ssyncadd.s32 $0xFFFFFFFF  }
0xb6: {  	_ =	strace $0x9000004B  }
0xb7: {  	_ =	sfence  }
0xb8: {  	s30 =	sld [smem:$0x0];
	_ =	sdelay $0x2  }
0xb9: {  	s31 =	sshll.u32 s1, $0xD;
	s1 =	sshrl.u32 s1, $0x2  }
0xba: {  	s3 =	sand.u32 $0x4000, s31;
	s1 =	sadd.s32 s1, s30  }
0xbb: {  	s0 =	sor.u32 s3, s0;
	s1 =	sshll.u32 s1, $0x11  }
0xbc: {  	s0 =	sor.u32 s1, s0  }
0xbd: {  	s0 =	sadd.s32 $0x8F2B, s0  }
0xbe: {  	[sflag:s0] =	ssyncadd.remote.s32 $0x1  }
0xbf: {  	_ =	sfence.sel $0xFFFF  }
0xc0: {  	[dreg:$0x0] =	wrdreg $0xFFFFFFFF;
	(pc) =	sbr.abs _section_cstart, $3  }
0xc1: {  	[dreg:$0x1] =	wrdreg $0xFFFFFFFF  }
0xc2: {  	_ =	task.clear_ibuf [dreg:s7], $0x2FFFF;
	_ =	strace $0x9FFFFFFF  }
0xc3: {  	(tm) =	ssettm $0x7FFFFFFF  }
tec
execute0_lowered:
.L_overlay_start_1:
0x0: {  	(tag) =	ssettag $0x1  }
0x1: {  	s0 =	rddreg [dreg:$0x0]  }
0x2: {  	s1 =	rddreg [dreg:$0x1]  }
0x3: {  	s2 =	srdreg.scid;
	s6 =	rddreg [dreg:$0x2]  }
0x4: {  	s10 =	stileid.u32;
	s28 =	simm.s32 $0x1;
	s29 =	simm.s32 $0x3  }
0x5: {  	s30 =	simm.s32 $0x1A900;
	s31 =	simm.s32 $0x168C0;
	s7 =	smul.u32 $0x14000, s10  }
0x6: {  	s5 =	sand.u32 $0x1, s2;
	s2 =	simm.s32 $0x0;
	s17 =	smul.u32 $0x50000, s10  }
0x7: {  	s3 =	sadd.s32 $0x5BA00, s0;
	s4 =	smul.u32 $0x140000, s5;
	[smem:$0x7FF] =	sst s2  }
0x8: {  	s8 =	sshll.u32 s5, $0x4;
	s9 =	ssub.s32 $0x2, s5;
	_ =	strace $0x8000004A  }
0x9: {  	s16 =	sor.u32 s10, s8;
	s18 =	sshrl.u32 s9, $0x1;
	s10 =	simm.s32 $0xA  }
0xa: {  	s8 =	sshrl.u32 s17, $0x2;
	s7 =	sadd.s32 s7, s4;
	s4 =	sadd.s32 $0x51A00, s0  }
0xb: {  	p0 =	seq.s32 s16, $0x1F;
	s5 =	smul.u32 $0x2800, s16;
	s6 =	sadd.s32 s8, s6  }
0xc: {  	s8 =	simm.s32 $0x2;
	s7 =	sshrl.u32 s7, $0x3;
	s20 =	sadd.s32 $0x4000, s6  }
0xd: {  	s10 =	simm.s32 @!p0 $0x28;
	s22 =	sadd.s32 $0x8000, s6;
	[dreg:$0x6] =	wrdreg s20  }
0xe: {  	s23 =	sadd.s32 $0xC000, s6;
	s24 =	sadd.s32 $0x10000, s6;
	[dreg:$0x7] =	wrdreg s22  }
0xf: {  	s0 =	sadd.s32 s7, s0;
	s7 =	ssub.s32 s9, s18;
	[dreg:$0x8] =	wrdreg s23  }
0x10: {  	s19 =	sadd.s32 $0xFFFFFFFF, s10;
	s21 =	sshrl.u32 s5, $0x3;
	[dreg:$0x9] =	wrdreg s24  }
0x11: {  	s26 =	ssub.s32 $0x2, s10;
	s20 =	simm.s32 $0x7;
	s22 =	simm.s32 $0x16800  }
0x12: {  	s23 =	simm.s32 $0x16880;
	s24 =	simm.s32 $0x40;
	s9 =	simm.s32 $0x0  }
0x13: {  	[dreg:$0x5] =	wrdreg s19;
	s11 =	sadd.s32 s4, s21;
	s1 =	sadd.s32 s1, s21  }
0x14: {  	s15 =	sadd.s32 $0x83A00, s0;
	s16 =	smax.u32 s7, $0x1;
	[dreg:$0x4] =	wrdreg s26  }
0x15: {  	s19 =	simm.s32 $0x16900;
	s26 =	simm.s32 $0x18900;
	s0 =	simm.s32 $0x1C900  }
0x16: {  	s21 =	simm.s32 $0x5;
	s7 =	simm.s32 $0x6;
	[dreg:$0xa] =	wrdreg s1  }
0x17: {  	s25 =	sadd.s32 $0x10, s11;
	s17 =	sadd.s32 $0x20, s11;
	s18 =	sadd.s32 $0x30, s11  }
0x18: {  	v0 =	vimm.f32 $0.0e+00;
	s1 =	simm.s32 $0x4;
	[dreg:$0xb] =	wrdreg s25;
	s25 =	simm.s32 $0x16840  }
.LBB2_1:
0x19: {  	s10 =	simm.s32 $0x0;
	s12 =	simm.s32 $0x200  }
.LBB2_2:
0x1a: {  	p0 =	sne.s32 s12, $0xFE00;
	[tilespmem:s10+$0x16970] =	vst v0  }
0x1b: {  	[tilespmem:s10+$0x16900] =	vst v0  }
0x1c: {  	[tilespmem:s10+$0x16910] =	vst v0  }
.Ltmp0:
0x1d: {  	[tilespmem:s10+$0x16920] =	vst v0;
	(pc) =	sbr.rel @p0 .LBB2_2-.Ltmp0, $4  }
0x1e: {  	[tilespmem:s10+$0x16930] =	vst v0  }
0x1f: {  	[tilespmem:s10+$0x16940] =	vst v0  }
0x20: {  	[tilespmem:s10+$0x16950] =	vst v0  }
0x21: {  	[tilespmem:s10+$0x16960] =	vst v0;
	s10 =	sshra.s32 s12, $0x2;
	s12 =	sadd.s32 $0x200, s12  }
0x22: {  	[tilespmem:s10+$0x16970] =	vst v0  }
0x23: {  	[tilespmem:s10+$0x16900] =	vst v0  }
0x24: {  	[tilespmem:s10+$0x16910] =	vst v0  }
0x25: {  	[tilespmem:s10+$0x16920] =	vst v0  }
0x26: {  	[tilespmem:s10+$0x16930] =	vst v0  }
0x27: {  	[tilespmem:s10+$0x16940] =	vst v0  }
0x28: {  	[tilespmem:s10+$0x16950] =	vst v0  }
0x29: {  	[tilespmem:s10+$0x16960] =	vst v0  }
0x2a: {  	[spmem:s6] =	stream.linear.scatter [tilespmem:s19], [sflag:$0x7], $0x4000, $0x38;
	[tilespmem:$0x1E900] =	vst v63  }
0x2b: {  	_ =	swait.ge [sflag:s20], $0x4000  }
0x2c: {  	[sflag:s20] =	ssyncset.done $0x0  }
0x2d: {  	s13 =	rddreg [dreg:$0x6];
	[sflag:s20] =	ssyncadd.s32 $0xFFFFC000  }
0x2e: {  	[spmem:s13] =	stream.linear.scatter [tilespmem:s19], [sflag:$0x7], $0x4000, $0x38;
	[tilespmem:$0x1E900] =	vst v63  }
0x2f: {  	_ =	swait.ge [sflag:s20], $0x4000  }
0x30: {  	[sflag:s20] =	ssyncset.done $0x0  }
0x31: {  	s14 =	rddreg [dreg:$0x7];
	[sflag:s20] =	ssyncadd.s32 $0xFFFFC000  }
0x32: {  	[spmem:s14] =	stream.linear.scatter [tilespmem:s19], [sflag:$0x7], $0x4000, $0x38;
	[tilespmem:$0x1E900] =	vst v63  }
0x33: {  	_ =	swait.ge [sflag:s20], $0x4000  }
0x34: {  	[sflag:s20] =	ssyncset.done $0x0  }
0x35: {  	s12 =	rddreg [dreg:$0x8];
	[sflag:s20] =	ssyncadd.s32 $0xFFFFC000  }
0x36: {  	[spmem:s12] =	stream.linear.scatter [tilespmem:s19], [sflag:$0x7], $0x4000, $0x38;
	[tilespmem:$0x1E900] =	vst v63  }
0x37: {  	_ =	swait.ge [sflag:s20], $0x4000  }
0x38: {  	[sflag:s20] =	ssyncset.done $0x0  }
0x39: {  	s13 =	rddreg [dreg:$0x9];
	[sflag:s20] =	ssyncadd.s32 $0xFFFFC000  }
0x3a: {  	[spmem:s13] =	stream.linear.scatter [tilespmem:s19], [sflag:$0x7], $0x4000, $0x38;
	[tilespmem:$0x1E900] =	vst v63  }
0x3b: {  	_ =	swait.ge [sflag:s20], $0x4000  }
0x3c: {  	[sflag:s20] =	ssyncset.done $0x0  }
0x3d: {  	[sflag:s20] =	ssyncadd.s32 $0xFFFFC000  }
0x3e: {  	[bflag:$0x0] =	sbarrier.arrive $0xFFFF  }
0x3f: {  	s10 =	simm.s32 $0x0;
	s13 =	simm.s32 $0x14000;
	s12 =	rddreg [dreg:$0xa]  }
0x40: {  	[tilespmem:s13], [sflag:$0x7] =	stream.linear.gather [hbm4b:s12+s10], $0x2800, $0x38;
	[tilespmem:$0x1E900] =	vst v63  }
0x41: {  	_ =	swait.ge [sflag:s20], $0x2800  }
0x42: {  	[sflag:s20] =	ssyncset.done $0x0  }
0x43: {  	[sflag:s20] =	ssyncadd.s32 $0xFFFFD800  }
0x44: {  	[tilespmem:s22], [sflag:$0x7] =	stream.linear.gather [hbm4b:s11+s10], $0x80, $0x38;
	[tilespmem:$0x1E900] =	vst v63  }
0x45: {  	_ =	swait.ge [sflag:s20], $0x80  }
0x46: {  	[sflag:s20] =	ssyncset.done $0x0  }
0x47: {  	s14 =	rddreg [dreg:$0xb];
	[sflag:s20] =	ssyncadd.s32 $0xFFFFFF80  }
0x48: {  	[tilespmem:s23], [sflag:$0x7] =	stream.linear.gather [hbm4b:s14+s10], $0x80, $0x38;
	[tilespmem:$0x1E900] =	vst v63  }
0x49: {  	_ =	swait.ge [sflag:s20], $0x80  }
0x4a: {  	[sflag:s20] =	ssyncset.done $0x0  }
0x4b: {  	[sflag:s20] =	ssyncadd.s32 $0xFFFFFF80  }
0x4c: {  	[tilespmem:s19], [sflag:$0x1] =	stream.indirect.gather [hbm4b:s3+s24], $0x80, s22, s24, $0xb8;
	[tilespmem:$0x1E900] =	vst v63  }
0x4d: {  	_ = 	snop  }
0x4e: {  	[tilespmem:s26], [sflag:$0x3] =	stream.indirect.gather [hbm4b:s3+s24], $0x80, s25, s24, $0xb8;
	[tilespmem:$0x1E900] =	vst v63  }
0x4f: {  	_ =	swait.ge [sflag:s28], $0x2000  }
0x50: {  	[sflag:s28] =	ssyncset.done $0x0  }
0x51: {  	[sflag:s28] =	ssyncadd.s32 $0xFFFFE000  }
0x52: {  	_ =	swait.ge [sflag:s29], $0x2000  }
0x53: {  	[sflag:s29] =	ssyncset.done $0x0  }
0x54: {  	[sflag:s29] =	ssyncadd.s32 $0xFFFFE000  }
0x55: {  	[tilespmem:s22], [sflag:$0x5] =	stream.linear.gather [hbm4b:s17+s10], $0x80, $0x38;
	[tilespmem:$0x1E900] =	vst v63  }
0x56: {  	_ = 	snop  }
0x57: {  	[tilespmem:s30], [sflag:$0x2] =	stream.indirect.gather [hbm4b:s3+s24], $0x80, s23, s24, $0xb8;
	[tilespmem:$0x1E900] =	vst v63  }
0x58: {  	s13 =	simm.s32 $0x2  }
0x59: {  	[tilespmem:s0], [sflag:$0x4] =	stream.indirect.gather [hbm4b:s3+s24], $0x80, s31, s24, $0xb8;
	[tilespmem:$0x1E900] =	vst v63  }
0x5a: {  	_ =	swait.ge [sflag:s13], $0x2000  }
0x5b: {  	[sflag:s13] =	ssyncset.done $0x0  }
0x5c: {  	[sflag:s13] =	ssyncadd.s32 $0xFFFFE000  }
0x5d: {  	_ =	swait.ge [sflag:s1], $0x2000  }
0x5e: {  	[sflag:s1] =	ssyncset.done $0x0  }
0x5f: {  	[sflag:s1] =	ssyncadd.s32 $0xFFFFE000  }
0x60: {  	[tilespmem:s23], [sflag:$0x6] =	stream.linear.gather [hbm4b:s18+s10], $0x80, $0x38;
	[tilespmem:$0x1E900] =	vst v63  }
0x61: {  	_ =	swait.ge [sflag:s21], $0x80  }
0x62: {  	[sflag:s21] =	ssyncset.done $0x0  }
0x63: {  	[sflag:s21] =	ssyncadd.s32 $0xFFFFFF80  }
0x64: {  	[tilespmem:s19], [sflag:$0x1] =	stream.indirect.gather [hbm4b:s3+s24], $0x80, s22, s24, $0xb8;
	[tilespmem:$0x1E900] =	vst v63  }
0x65: {  	_ = 	snop  }
0x66: {  	[tilespmem:s26], [sflag:$0x3] =	stream.indirect.gather [hbm4b:s3+s24], $0x80, s25, s24, $0xb8;
	[tilespmem:$0x1E900] =	vst v63  }
.LBB2_4:
0x67: {  	p0 =	slt.s32 s13, $0x4D;
	s12 =	smov.u32 s13  }
0x68: {  	s12 =	simm.s32 @!p0 $0x4D  }
0x69: {  	s12 =	sshll.u32 s12, $0x7  }
0x6a: {  	_ =	swait.ge [sflag:s28], $0x2000;
	s12 =	sadd.s32 $0x100, s12  }
0x6b: {  	[sflag:s28] =	ssyncset.done $0x0;
	s14 =	sand.u32 $0xFFFFFC00, s12  }
0x6c: {  	[sflag:s28] =	ssyncadd.s32 $0xFFFFE000;
	s12 =	sand.u32 $0x380, s12;
	s14 =	sadd.s32 s5, s14  }
0x6d: {  	_ =	swait.ge [sflag:s29], $0x2000;
	s12 =	sor.u32 s12, s14  }
0x6e: {  	[sflag:s29] =	ssyncset.done $0x0;
	s12 =	sshrl.u32 s12, $0x3  }
0x6f: {  	[sflag:s29] =	ssyncadd.s32 $0xFFFFE000;
	s12 =	sadd.s32 s4, s12  }
0x70: {  	[tilespmem:s22], [sflag:$0x5] =	stream.linear.gather [hbm4b:s12+s2], $0x80, $0x38;
	[tilespmem:$0x1E900] =	vst v63  }
0x71: {  	_ =	swait.ge [sflag:s7], $0x80  }
0x72: {  	p0 =	slt.s32 s13, $0x4C;
	s12 =	smov.u32 s13;
	[sflag:s7] =	ssyncset.done $0x0  }
0x73: {  	s12 =	simm.s32 @!p0 $0x4C;
	[sflag:s7] =	ssyncadd.s32 $0xFFFFFF80  }
0x74: {  	[tilespmem:s30], [sflag:$0x2] =	stream.indirect.gather [hbm4b:s3+s24], $0x80, s23, s24, $0xb8;
	[tilespmem:$0x1E900] =	vst v63  }
0x75: {  	s12 =	sshll.u32 s12, $0x7  }
0x76: {  	[tilespmem:s0], [sflag:$0x4] =	stream.indirect.gather [hbm4b:s3+s24], $0x80, s31, s24, $0xb8;
	[tilespmem:$0x1E900] =	vst v63  }
0x77: {  	s12 =	sadd.s32 $0x180, s12;
	_ =	swait.ge [sflag:s8], $0x2000  }
0x78: {  	s14 =	sand.u32 $0xFFFFFC00, s12;
	[sflag:s8] =	ssyncset.done $0x0  }
0x79: {  	s12 =	sand.u32 $0x380, s12;
	s14 =	sadd.s32 s5, s14;
	[sflag:s8] =	ssyncadd.s32 $0xFFFFE000  }
0x7a: {  	s12 =	sor.u32 s12, s14;
	_ =	swait.ge [sflag:s1], $0x2000  }
0x7b: {  	s12 =	sshrl.u32 s12, $0x3;
	[sflag:s1] =	ssyncset.done $0x0  }
0x7c: {  	s12 =	sadd.s32 s4, s12;
	[sflag:s1] =	ssyncadd.s32 $0xFFFFE000  }
0x7d: {  	[tilespmem:s23], [sflag:$0x6] =	stream.linear.gather [hbm4b:s12+s2], $0x80, $0x38;
	[tilespmem:$0x1E900] =	vst v63  }
0x7e: {  	_ =	swait.ge [sflag:s21], $0x80  }
0x7f: {  	s10 =	sadd.s32 $0xFFFFFFFF, s10;
	s14 =	rddreg [dreg:$0x4]  }
0x80: {  	p0 =	sne.s32 s14, s10  }
.Ltmp1:
0x81: {  	[sflag:s21] =	ssyncset.done $0x0;
	(pc) =	sbr.rel @p0 .LBB2_4-.Ltmp1, $4  }
0x82: {  	[sflag:s21] =	ssyncadd.s32 $0xFFFFFF80  }
0x83: {  	[tilespmem:s19], [sflag:$0x1] =	stream.indirect.gather [hbm4b:s3+s24], $0x80, s22, s24, $0xb8;
	[tilespmem:$0x1E900] =	vst v63  }
0x84: {  	s13 =	sadd.s32 $0x2, s13  }
0x85: {  	[tilespmem:s26], [sflag:$0x3] =	stream.indirect.gather [hbm4b:s3+s24], $0x80, s25, s24, $0xb8;
	[tilespmem:$0x1E900] =	vst v63  }
0x86: {  	s10 =	ssub.s32 $0x1, s10;
	s12 =	rddreg [dreg:$0x5]  }
0x87: {  	p0 =	sge.u32 s10, s12  }
0x88: {  	p2 =	slt.s32 @!p0 s13, $0x4D  }
0x89: {  	p2 =	por !p2, p0  }
0x8a: {  	p1 =	slt.s32 s13, $0x4C;
	s10 =	smov.u32 s13;
	s13 =	simm.s32 @p2 $0x4D  }
0x8b: {  	s12 =	sshll.u32 @!p0 s13, $0x7  }
0x8c: {  	_ =	swait.ge [sflag:s28], $0x2000;
	s12 =	sadd.s32 @!p0 $0x100, s12  }
0x8d: {  	[sflag:s28] =	ssyncset.done $0x0;
	s13 =	sand.u32 @!p0 $0xFFFFFC00, s12  }
0x8e: {  	[sflag:s28] =	ssyncadd.s32 $0xFFFFE000;
	s12 =	sand.u32 @!p0 $0x380, s12;
	s13 =	sadd.s32 @!p0 s5, s13  }
0x8f: {  	_ =	swait.ge [sflag:s29], $0x2000;
	s12 =	sor.u32 @!p0 s12, s13  }
0x90: {  	s14 =	simm.s32 @!p0 $0x16800;
	[sflag:s29] =	ssyncset.done $0x0;
	s12 =	sshrl.u32 @!p0 s12, $0x3  }
0x91: {  	[sflag:s29] =	ssyncadd.s32 $0xFFFFE000;
	s13 =	simm.s32 @!p0 $0x0;
	s12 =	sadd.s32 @!p0 s4, s12  }
0x92: {  	[tilespmem:s14], [sflag:$0x5] =	stream.linear.gather @!p0 [hbm4b:s12+s13], $0x80, $0x38;
	[tilespmem:$0x1E900] =	vst v63  }
0x93: {  	_ =	swait.ge [sflag:s7], $0x80  }
0x94: {  	[sflag:s7] =	ssyncset.done $0x0  }
0x95: {  	s10 =	simm.s32 @!p1 $0x4C;
	[sflag:s7] =	ssyncadd.s32 $0xFFFFFF80  }
0x96: {  	[tilespmem:s30], [sflag:$0x2] =	stream.indirect.gather [hbm4b:s3+s24], $0x80, s23, s24, $0xb8;
	[tilespmem:$0x1E900] =	vst v63  }
0x97: {  	s10 =	sshll.u32 @!p0 s10, $0x7  }
0x98: {  	[tilespmem:s0], [sflag:$0x4] =	stream.indirect.gather [hbm4b:s3+s24], $0x80, s31, s24, $0xb8;
	[tilespmem:$0x1E900] =	vst v63  }
0x99: {  	s10 =	sadd.s32 @!p0 $0x180, s10;
	_ =	swait.ge [sflag:s8], $0x2000  }
0x9a: {  	s12 =	sand.u32 @!p0 $0xFFFFFC00, s10;
	[sflag:s8] =	ssyncset.done $0x0  }
0x9b: {  	s10 =	sand.u32 @!p0 $0x380, s10;
	s12 =	sadd.s32 @!p0 s5, s12;
	[sflag:s8] =	ssyncadd.s32 $0xFFFFE000  }
0x9c: {  	s10 =	sor.u32 @!p0 s10, s12;
	_ =	swait.ge [sflag:s1], $0x2000  }
0x9d: {  	s10 =	sshrl.u32 @!p0 s10, $0x3;
	[sflag:s1] =	ssyncset.done $0x0  }
0x9e: {  	s12 =	simm.s32 @!p0 $0x16880;
	s10 =	sadd.s32 @!p0 s4, s10;
	[sflag:s1] =	ssyncadd.s32 $0xFFFFE000  }
0x9f: {  	[tilespmem:s12], [sflag:$0x6] =	stream.linear.gather @!p0 [hbm4b:s10+s13], $0x80, $0x38;
	[tilespmem:$0x1E900] =	vst v63  }
0xa0: {  	s10 =	simm.s32 @!p0 $0x5  }
0xa1: {  	_ =	swait.ge @!p0 [sflag:s10], $0x80  }
0xa2: {  	[sflag:s10] =	ssyncset.done @!p0 $0x0  }
0xa3: {  	s12 =	simm.s32 @!p0 $0x16900;
	[sflag:s10] =	ssyncadd.s32 @!p0 $0xFFFFFF80;
	s10 =	simm.s32 @!p0 $0x40  }
0xa4: {  	[tilespmem:s12], [sflag:$0x1] =	stream.indirect.gather @!p0 [hbm4b:s3+s10], $0x80, s14, s10, $0xb8;
	[tilespmem:$0x1E900] =	vst v63  }
0xa5: {  	s13 =	simm.s32 @!p0 $0x18900;
	s12 =	simm.s32 @!p0 $0x16840  }
0xa6: {  	[tilespmem:s13], [sflag:$0x3] =	stream.indirect.gather @!p0 [hbm4b:s3+s10], $0x80, s12, s10, $0xb8;
	[tilespmem:$0x1E900] =	vst v63  }
0xa7: {  	s9 =	sadd.s32 $0x1, s9;
	s13 =	stileid.u32  }
0xa8: {  	s14 =	sshrl.u32 s6, $0x3;
	p0 =	sne.s32 s9, s16;
	s10 =	sshll.u32 s13, $0x6  }
.Ltmp2:
0xa9: {  	[bflag:$0x0] =	sbarrier.arrive $0xFFFF;
	s10 =	sor.u32 $0x1C07, s10;
	(pc) =	sbr.rel @p0 .LBB2_1-.Ltmp2, $4  }
0xaa: {  	[hbm:s15], [sflag:s10] =	dma.local [spmem:s14], $0x2800  }
0xab: {  	_ =	swait.ge [sflag:s20], $0x2800  }
0xac: {  	[sflag:s20] =	ssyncset.done $0x0  }
0xad: {  	[sflag:s20] =	ssyncadd.s32 $0xFFFFD800  }
0xae: {  	_ =	sfence.sel $0x180000  }
0xaf: {  	[bflag:$0x0] =	sbarrier.arrive $0xFFFF  }
0xb0: {  	_ =	strace $0x9000004A  }
0xb1: {  	s0 =	stileid.u32;
	[bflag:$0x2] =	sbarrier.arrive $0xFFFF  }
0xb2: {  	p0 =	sne.s32 s0, $0x0;
	s0 =	rddreg [dreg:$0x3]  }
0xb3: {  	s0 =	sadd.s32 @!p0 $0x100000, s0  }
0xb4: {  	[sflag:s0] =	ssyncadd.tile.s32 @!p0 $0x1;
	_ =	shalt  }
.Lfunc_end2:
_tile_overlayer_lowered:
.L_overlay_start_2:
0xb5: {  	(tag) =	ssettag $0x2  }
0xb6: {  	s0 =	rddreg [dreg:$0x0];
	s2 =	stileid.u32  }
0xb7: {  	s1 =	rddreg [dreg:$0x1];
	p0 =	sne.s32 s2, $0x0  }
0xb8: {  	s3 =	rddreg [dreg:$0x2];
	[bflag:$0x3] =	sbarrier.arrive $0xFFFF;
	s2 =	simm.s32 @!p0 $0x1C07  }
0xb9: {  	[timem:s3], [sflag:s2] =	dma.local @!p0 [hbm:s0], s1  }
0xba: {  	s0 =	simm.s32 @!p0 $0x7  }
0xbb: {  	_ =	swait.ge @!p0 [sflag:s0], s1  }
0xbc: {  	s1 =	ssub.s32 @!p0 $0x0, s1;
	[sflag:s0] =	ssyncset.done @!p0 $0x0  }
0xbd: {  	[sflag:s0] =	ssyncadd.s32 @!p0 s1  }
0xbe: {  	[bflag:$0x3] =	sbarrier.arrive $0xFFFF  }
0xbf: {  	_ =	shalt  }

</sc_bundles>
